<compile_context>
chip_gen: v7x
topology: tpu7x:2x2x1
jax: 0.10.2.dev20260603
libtpu: 0.0.44.dev20260713+nightly
codegen_flags: <defaults>
</compile_context>

<pallas_src>
import functools

import jax
import jax.numpy as jnp
from jax import lax
from jax.experimental import pallas as pl
from jax.experimental.pallas import tpu as pltpu
from jax.experimental.pallas import tpu_sc as plsc

N = 4096
LANES = 16
NC = 2
NS = 16
NW = NC * NS
T_TC = 2048
SC_ROWS = N - T_TC
ROWS_PER_W = SC_ROWS // NW
CH = 8
NCHUNK = ROWS_PER_W // CH
BM = 512


def _tc_body(p_ref, a_ref, o_ref):
    o_ref[...] = jnp.sum(a_ref[...], axis=1, keepdims=True) * p_ref[0, 0]


def _sc_body(p_hbm, a_hbm, out_hbm, p_v, buf0, buf1, sums, sem0, sem1):
    wid = lax.axis_index("s") * NC + lax.axis_index("c")
    base = T_TC + wid * ROWS_PER_W

    pltpu.sync_copy(p_hbm, p_v)
    pv = p_v[...][0]
    lane = lax.iota(jnp.int32, LANES)

    bufs = (buf0, buf1)
    sems = (sem0, sem1)
    copies = [None, None]
    copies[0] = pltpu.async_copy(a_hbm.at[pl.ds(base, CH)], buf0, sem0)
    vec = jnp.zeros((LANES,), jnp.float32)
    for g in range(NCHUNK):
        if g + 1 < NCHUNK:
            nb = (g + 1) % 2
            copies[nb] = pltpu.async_copy(
                a_hbm.at[pl.ds(base + (g + 1) * CH, CH)], bufs[nb], sems[nb]
            )
        cb = g % 2
        copies[cb].wait()
        buf = bufs[cb]
        lane_off = (g % 2) * CH

        def row_body(r, vec, buf=buf, lane_off=lane_off):
            def col_body(j, accs):
                a0, a1, a2, a3 = accs
                col = j * 128
                a0 = a0 + buf[r, pl.ds(col, LANES)]
                a1 = a1 + buf[r, pl.ds(col + 16, LANES)]
                a2 = a2 + buf[r, pl.ds(col + 32, LANES)]
                a3 = a3 + buf[r, pl.ds(col + 48, LANES)]
                a0 = a0 + buf[r, pl.ds(col + 64, LANES)]
                a1 = a1 + buf[r, pl.ds(col + 80, LANES)]
                a2 = a2 + buf[r, pl.ds(col + 96, LANES)]
                a3 = a3 + buf[r, pl.ds(col + 112, LANES)]
                return a0, a1, a2, a3

            z = jnp.zeros((LANES,), jnp.float32)
            a0, a1, a2, a3 = lax.fori_loop(0, N // 128, col_body, (z, z, z, z))
            total = (a0 + a1) + (a2 + a3)
            s = jnp.sum(total)
            return jnp.where(lane == r + lane_off, s, vec)

        vec = lax.fori_loop(0, CH, row_body, vec)
        if g % 2 == 1:
            sums[pl.ds((g // 2) * LANES, LANES)] = vec * pv
            vec = jnp.zeros((LANES,), jnp.float32)

    pltpu.sync_copy(sums, out_hbm.at[pl.ds(wid * ROWS_PER_W, ROWS_PER_W)])


@jax.jit
def _hybrid(p2, p16, A):
    mesh = plsc.VectorSubcoreMesh(core_axis_name="c", subcore_axis_name="s")
    sc_k = pl.kernel(
        _sc_body,
        out_type=jax.ShapeDtypeStruct((SC_ROWS,), jnp.float32),
        mesh=mesh,
        compiler_params=pltpu.CompilerParams(needs_layout_passes=False),
        scratch_types=[
            pltpu.VMEM((LANES,), jnp.float32),
            pltpu.VMEM((CH, N), jnp.float32),
            pltpu.VMEM((CH, N), jnp.float32),
            pltpu.VMEM((ROWS_PER_W,), jnp.float32),
            pltpu.SemaphoreType.DMA,
            pltpu.SemaphoreType.DMA,
        ],
    )
    y_sc = sc_k(p16, A)
    y_tc = pl.pallas_call(
        _tc_body,
        grid=(T_TC // BM,),
        in_specs=[
            pl.BlockSpec((1, 1), lambda i: (0, 0), memory_space=pltpu.SMEM),
            pl.BlockSpec((BM, N), lambda i: (i, 0)),
        ],
        out_specs=pl.BlockSpec((BM, 1), lambda i: (i, 0)),
        out_shape=jax.ShapeDtypeStruct((T_TC, 1), jnp.float32),
    )(p2, A)
    return jnp.concatenate([y_tc, y_sc.reshape(SC_ROWS, 1)], axis=0)


def kernel(p, A):
    return _hybrid(p.reshape(1, 1), jnp.broadcast_to(p, (LANES,)), A)

# --- scband reference (transcript-rebuilt; emitter-appended) ---
"""Pipeline reference for scband-mplayer-87668872446589 (READ-ONLY COPY).

The authoritative reference and input builder live on the scoring server;
editing this copy changes nothing except your own understanding.
"""

import jax, jax.numpy as jnp
import numpy as np

NUM_ENTITIES = 4096

def setup_inputs(seed: int = 0) -> dict:
    key = jax.random.key(seed)
    k1, k2 = jax.random.split(key)
    p = jax.random.uniform(k1, (1,), dtype=jnp.float32)
    A = jax.random.uniform(k2, (NUM_ENTITIES, NUM_ENTITIES), dtype=jnp.float32)
    return {"p": p, "A": A}

def reference(p, A):
    # _A = A * p  (elementwise scale of adjacency by predicate score)
    _A = A * p
    # x = ones(num_entities, 1); y = sparse.mm(_A, x) -> dense matvec equivalent
    x = jnp.ones((NUM_ENTITIES, 1), dtype=jnp.float32)
    y = _A @ x
    return y

if __name__ == "__main__":
    import jax
    _d = setup_inputs()
    print(jax.jit(kernel)(*tuple(_d.values())))

</pallas_src>

<mosaic_0001>
#map = affine_map<(d0, d1) -> (0)>
#map1 = affine_map<(d0, d1) -> (0, 0)>
module attributes {stable_mosaic.version = 14 : i64} {
  func.func @_sc_body(%arg0: i32, %arg1: i32, %arg2: memref<16xf32, #tpu.memory_space<hbm>>, %arg3: memref<4096x4096xf32, #tpu.memory_space<hbm>>, %arg4: memref<2048xf32, #tpu.memory_space<hbm>>, %arg5: memref<16xf32, #tpu.memory_space<vmem>>, %arg6: memref<8x4096xf32, #tpu.memory_space<vmem>>, %arg7: memref<8x4096xf32, #tpu.memory_space<vmem>>, %arg8: memref<64xf32, #tpu.memory_space<vmem>>, %arg9: memref<!tpu.dma_semaphore, #tpu.memory_space<semaphore_mem>>, %arg10: memref<!tpu.dma_semaphore, #tpu.memory_space<semaphore_mem>>) attributes {dimension_semantics = [#tpu.dimension_semantics<core_parallel>, #tpu.dimension_semantics<subcore_parallel>], iteration_bounds = array<i64: 2, 16>, scalar_prefetch = 0 : i64, scratch_operands = 6 : i64, tpu.core_type = #tpu.core_type<sc_vector_subcore>, window_params = [{transform_indices = #map}, {transform_indices = #map1}, {transform_indices = #map}]} {
    %mul3A = arith.constant 2 : i32
    %mul3A_0 = arith.muli %arg1, %mul3A : i32
    %add3A = arith.addi %mul3A_0, %arg0 : i32
    %mul3A_1 = arith.constant 64 : i32
    %mul3A_2 = arith.muli %add3A, %mul3A_1 : i32
    %add3A_3 = arith.constant 2048 : i32
    %add3A_4 = arith.addi %add3A_3, %mul3A_2 : i32
    "tpu.region"() ({
      %run_scoped3A = tpu.sem_alloc : memref<!tpu.dma_semaphore, #tpu.memory_space<semaphore_mem>>
      tpu.enqueue_dma source(%arg2 : memref<16xf32, #tpu.memory_space<hbm>>) target(%arg5 : memref<16xf32, #tpu.memory_space<vmem>>) target_semaphore(%run_scoped3A : memref<!tpu.dma_semaphore, #tpu.memory_space<semaphore_mem>>)
      tpu.wait_dma2 semaphore(%run_scoped3A : memref<!tpu.dma_semaphore, #tpu.memory_space<semaphore_mem>>) src(%arg2 : memref<16xf32, #tpu.memory_space<hbm>>) dst(%arg5 : memref<16xf32, #tpu.memory_space<vmem>>)
      tpu.yield
    }) : () -> ()
    %get3A = arith.constant 0 : index
    %get3A_5 = tpu.vector_load %arg5[%get3A] {strides = array<i32>} : memref<16xf32, #tpu.memory_space<vmem>>, vector<16xf32>,
    %slice3A = vector.extract_strided_slice %get3A_5 {offsets = [0], sizes = [1], strides = [1]} : vector<16xf32> to vector<1xf32>
    %squeeze3A = vector.extract %slice3A[0] : f32 from vector<1xf32>
    %iota3A = tpu.iota {dimensions = array<i32: 0>} : vector<16xi32>
    %dma_start3A = arith.constant 0 : i32
    %dma_start3A_6 = tpu.memref_slice %arg3[%add3A_4, %dma_start3A] : memref<4096x4096xf32, #tpu.memory_space<hbm>> -> memref<8x4096xf32, #tpu.memory_space<hbm>>
    %dma_start3A_7 = arith.constant 0 : i32
    %dma_start3A_8 = tpu.memref_slice %arg3[%add3A_4, %dma_start3A_7] : memref<4096x4096xf32, #tpu.memory_space<hbm>> -> memref<8x4096xf32, #tpu.memory_space<hbm>>
    tpu.enqueue_dma source(%dma_start3A_8 : memref<8x4096xf32, #tpu.memory_space<hbm>>) target(%arg6 : memref<8x4096xf32, #tpu.memory_space<vmem>>) target_semaphore(%arg9 : memref<!tpu.dma_semaphore, #tpu.memory_space<semaphore_mem>>)
    %broadcast_in_dim3A = arith.constant 0.000000e+00 : f32
    %broadcast_in_dim3A_9 = vector.broadcast %broadcast_in_dim3A : f32 to vector<16xf32>
    %add3A_10 = arith.constant 8 : i32
    %add3A_11 = arith.addi %add3A_4, %add3A_10 : i32
    %dma_start3A_12 = arith.constant 0 : i32
    %dma_start3A_13 = tpu.memref_slice %arg3[%add3A_11, %dma_start3A_12] : memref<4096x4096xf32, #tpu.memory_space<hbm>> -> memref<8x4096xf32, #tpu.memory_space<hbm>>
    %dma_start3A_14 = arith.constant 0 : i32
    %dma_start3A_15 = tpu.memref_slice %arg3[%add3A_11, %dma_start3A_14] : memref<4096x4096xf32, #tpu.memory_space<hbm>> -> memref<8x4096xf32, #tpu.memory_space<hbm>>
    tpu.enqueue_dma source(%dma_start3A_15 : memref<8x4096xf32, #tpu.memory_space<hbm>>) target(%arg7 : memref<8x4096xf32, #tpu.memory_space<vmem>>) target_semaphore(%arg10 : memref<!tpu.dma_semaphore, #tpu.memory_space<semaphore_mem>>)
    %dma_wait3A = arith.constant 0 : i32
    %dma_wait3A_16 = tpu.memref_slice %arg3[%add3A_4, %dma_wait3A] : memref<4096x4096xf32, #tpu.memory_space<hbm>> -> memref<8x4096xf32, #tpu.memory_space<hbm>>
    %dma_wait3A_17 = arith.constant 0 : i32
    %dma_wait3A_18 = tpu.memref_slice %arg3[%add3A_4, %dma_wait3A_17] : memref<4096x4096xf32, #tpu.memory_space<hbm>> -> memref<8x4096xf32, #tpu.memory_space<hbm>>
    tpu.wait_dma2 semaphore(%arg9 : memref<!tpu.dma_semaphore, #tpu.memory_space<semaphore_mem>>) src(%dma_wait3A_18 : memref<8x4096xf32, #tpu.memory_space<hbm>>) dst(%arg6 : memref<8x4096xf32, #tpu.memory_space<vmem>>)
    %scan3A = arith.constant 0 : i32
    %scan3A_19 = arith.constant 8 : i32
    %scan3A_20 = arith.addi %scan3A, %scan3A_19 : i32
    %scan3A_21 = arith.constant 1 : i32
    %scan3A_22 = scf.for %scan3A_155 = %scan3A to %scan3A_20 step %scan3A_21 iter_args(%scan3A_156 = %broadcast_in_dim3A_9) -> (vector<16xf32>)  : i32 {
      %broadcast_in_dim3A_157 = arith.constant 0.000000e+00 : f32
      %broadcast_in_dim3A_158 = vector.broadcast %broadcast_in_dim3A_157 : f32 to vector<16xf32>
      %scan3A_159 = arith.constant 0 : i32
      %scan3A_160 = arith.constant 32 : i32
      %scan3A_161 = arith.addi %scan3A_159, %scan3A_160 : i32
      %scan3A_162 = arith.constant 1 : i32
      %scan3A_163:4 = scf.for %scan3A_175 = %scan3A_159 to %scan3A_161 step %scan3A_162 iter_args(%scan3A_176 = %broadcast_in_dim3A_158, %scan3A_177 = %broadcast_in_dim3A_158, %scan3A_178 = %broadcast_in_dim3A_158, %scan3A_179 = %broadcast_in_dim3A_158) -> (vector<16xf32>, vector<16xf32>, vector<16xf32>, vector<16xf32>)  : i32 {
        %mul3A_180 = arith.constant 128 : i32
        %mul3A_181 = arith.muli %scan3A_175, %mul3A_180 : i32
        %get3A_182 = arith.index_cast %scan3A_155 : i32 to index
        %get3A_183 = arith.index_cast %mul3A_181 : i32 to index
        %get3A_184 = tpu.vector_load %arg6[%get3A_182, %get3A_183] {strides = array<i32>} : memref<8x4096xf32, #tpu.memory_space<vmem>>, vector<16xf32>,
        %add3A_185 = arith.addf %scan3A_176, %get3A_184 : vector<16xf32>
        %add3A_186 = arith.constant 16 : i32
        %add3A_187 = arith.addi %mul3A_181, %add3A_186 : i32
        %get3A_188 = arith.index_cast %scan3A_155 : i32 to index
        %get3A_189 = arith.index_cast %add3A_187 : i32 to index
        %get3A_190 = tpu.vector_load %arg6[%get3A_188, %get3A_189] {strides = array<i32>} : memref<8x4096xf32, #tpu.memory_space<vmem>>, vector<16xf32>,
        %add3A_191 = arith.addf %scan3A_177, %get3A_190 : vector<16xf32>
        %add3A_192 = arith.constant 32 : i32
        %add3A_193 = arith.addi %mul3A_181, %add3A_192 : i32
        %get3A_194 = arith.index_cast %scan3A_155 : i32 to index
        %get3A_195 = arith.index_cast %add3A_193 : i32 to index
        %get3A_196 = tpu.vector_load %arg6[%get3A_194, %get3A_195] {strides = array<i32>} : memref<8x4096xf32, #tpu.memory_space<vmem>>, vector<16xf32>,
        %add3A_197 = arith.addf %scan3A_178, %get3A_196 : vector<16xf32>
        %add3A_198 = arith.constant 48 : i32
        %add3A_199 = arith.addi %mul3A_181, %add3A_198 : i32
        %get3A_200 = arith.index_cast %scan3A_155 : i32 to index
        %get3A_201 = arith.index_cast %add3A_199 : i32 to index
        %get3A_202 = tpu.vector_load %arg6[%get3A_200, %get3A_201] {strides = array<i32>} : memref<8x4096xf32, #tpu.memory_space<vmem>>, vector<16xf32>,
        %add3A_203 = arith.addf %scan3A_179, %get3A_202 : vector<16xf32>
        %add3A_204 = arith.constant 64 : i32
        %add3A_205 = arith.addi %mul3A_181, %add3A_204 : i32
        %get3A_206 = arith.index_cast %scan3A_155 : i32 to index
        %get3A_207 = arith.index_cast %add3A_205 : i32 to index
        %get3A_208 = tpu.vector_load %arg6[%get3A_206, %get3A_207] {strides = array<i32>} : memref<8x4096xf32, #tpu.memory_space<vmem>>, vector<16xf32>,
        %add3A_209 = arith.addf %add3A_185, %get3A_208 : vector<16xf32>
        %add3A_210 = arith.constant 80 : i32
        %add3A_211 = arith.addi %mul3A_181, %add3A_210 : i32
        %get3A_212 = arith.index_cast %scan3A_155 : i32 to index
        %get3A_213 = arith.index_cast %add3A_211 : i32 to index
        %get3A_214 = tpu.vector_load %arg6[%get3A_212, %get3A_213] {strides = array<i32>} : memref<8x4096xf32, #tpu.memory_space<vmem>>, vector<16xf32>,
        %add3A_215 = arith.addf %add3A_191, %get3A_214 : vector<16xf32>
        %add3A_216 = arith.constant 96 : i32
        %add3A_217 = arith.addi %mul3A_181, %add3A_216 : i32
        %get3A_218 = arith.index_cast %scan3A_155 : i32 to index
        %get3A_219 = arith.index_cast %add3A_217 : i32 to index
        %get3A_220 = tpu.vector_load %arg6[%get3A_218, %get3A_219] {strides = array<i32>} : memref<8x4096xf32, #tpu.memory_space<vmem>>, vector<16xf32>,
        %add3A_221 = arith.addf %add3A_197, %get3A_220 : vector<16xf32>
        %add3A_222 = arith.constant 112 : i32
        %add3A_223 = arith.addi %mul3A_181, %add3A_222 : i32
        %get3A_224 = arith.index_cast %scan3A_155 : i32 to index
        %get3A_225 = arith.index_cast %add3A_223 : i32 to index
        %get3A_226 = tpu.vector_load %arg6[%get3A_224, %get3A_225] {strides = array<i32>} : memref<8x4096xf32, #tpu.memory_space<vmem>>, vector<16xf32>,
        %add3A_227 = arith.addf %add3A_203, %get3A_226 : vector<16xf32>
        scf.yield %add3A_209, %add3A_215, %add3A_221, %add3A_227 : vector<16xf32>, vector<16xf32>, vector<16xf32>, vector<16xf32>
      }
      %scan3A_164 = arith.constant 32 : i32
      %add3A_165 = arith.addf %scan3A_163#0, %scan3A_163#1 : vector<16xf32>
      %add3A_166 = arith.addf %scan3A_163#2, %scan3A_163#3 : vector<16xf32>
      %add3A_167 = arith.addf %add3A_165, %add3A_166 : vector<16xf32>
      %reduce_sum3A = arith.constant true
      %reduce_sum3A_168 = vector.broadcast %reduce_sum3A : i1 to vector<16xi1>
      %reduce_sum3A_169 = tpu.scan <sum>, %add3A_167 masked %reduce_sum3A_168 : vector<16xf32>, vector<16xi1> -> vector<16xf32>
      %reduce_sum3A_170 = vector.extract %reduce_sum3A_169[15] : f32 from vector<16xf32>
      %add3A_171 = arith.constant 0 : i32
      %add3A_172 = arith.addi %scan3A_155, %add3A_171 : i32
      %eq3A = vector.broadcast %add3A_172 : i32 to vector<16xi32>
      %eq3A_173 = arith.cmpi eq, %iota3A, %eq3A : vector<16xi32>
      %broadcast_in_dim3A_174 = vector.broadcast %reduce_sum3A_170 : f32 to vector<16xf32>
      %select_n3A = arith.select %eq3A_173, %broadcast_in_dim3A_174, %scan3A_156 : vector<16xi1>, vector<16xf32>
      scf.yield %select_n3A : vector<16xf32>
    }
    %scan3A_23 = arith.constant 8 : i32
    %add3A_24 = arith.constant 16 : i32
    %add3A_25 = arith.addi %add3A_4, %add3A_24 : i32
    %dma_start3A_26 = arith.constant 0 : i32
    %dma_start3A_27 = tpu.memref_slice %arg3[%add3A_25, %dma_start3A_26] : memref<4096x4096xf32, #tpu.memory_space<hbm>> -> memref<8x4096xf32, #tpu.memory_space<hbm>>
    %dma_start3A_28 = arith.constant 0 : i32
    %dma_start3A_29 = tpu.memref_slice %arg3[%add3A_25, %dma_start3A_28] : memref<4096x4096xf32, #tpu.memory_space<hbm>> -> memref<8x4096xf32, #tpu.memory_space<hbm>>
    tpu.enqueue_dma source(%dma_start3A_29 : memref<8x4096xf32, #tpu.memory_space<hbm>>) target(%arg6 : memref<8x4096xf32, #tpu.memory_space<vmem>>) target_semaphore(%arg9 : memref<!tpu.dma_semaphore, #tpu.memory_space<semaphore_mem>>)
    %dma_wait3A_30 = arith.constant 0 : i32
    %dma_wait3A_31 = tpu.memref_slice %arg3[%add3A_11, %dma_wait3A_30] : memref<4096x4096xf32, #tpu.memory_space<hbm>> -> memref<8x4096xf32, #tpu.memory_space<hbm>>
    %dma_wait3A_32 = arith.constant 0 : i32
    %dma_wait3A_33 = tpu.memref_slice %arg3[%add3A_11, %dma_wait3A_32] : memref<4096x4096xf32, #tpu.memory_space<hbm>> -> memref<8x4096xf32, #tpu.memory_space<hbm>>
    tpu.wait_dma2 semaphore(%arg10 : memref<!tpu.dma_semaphore, #tpu.memory_space<semaphore_mem>>) src(%dma_wait3A_33 : memref<8x4096xf32, #tpu.memory_space<hbm>>) dst(%arg7 : memref<8x4096xf32, #tpu.memory_space<vmem>>)
    %scan3A_34 = arith.constant 0 : i32
    %scan3A_35 = arith.constant 8 : i32
    %scan3A_36 = arith.addi %scan3A_34, %scan3A_35 : i32
    %scan3A_37 = arith.constant 1 : i32
    %scan3A_38 = scf.for %scan3A_155 = %scan3A_34 to %scan3A_36 step %scan3A_37 iter_args(%scan3A_156 = %scan3A_22) -> (vector<16xf32>)  : i32 {
      %broadcast_in_dim3A_157 = arith.constant 0.000000e+00 : f32
      %broadcast_in_dim3A_158 = vector.broadcast %broadcast_in_dim3A_157 : f32 to vector<16xf32>
      %scan3A_159 = arith.constant 0 : i32
      %scan3A_160 = arith.constant 32 : i32
      %scan3A_161 = arith.addi %scan3A_159, %scan3A_160 : i32
      %scan3A_162 = arith.constant 1 : i32
      %scan3A_163:4 = scf.for %scan3A_175 = %scan3A_159 to %scan3A_161 step %scan3A_162 iter_args(%scan3A_176 = %broadcast_in_dim3A_158, %scan3A_177 = %broadcast_in_dim3A_158, %scan3A_178 = %broadcast_in_dim3A_158, %scan3A_179 = %broadcast_in_dim3A_158) -> (vector<16xf32>, vector<16xf32>, vector<16xf32>, vector<16xf32>)  : i32 {
        %mul3A_180 = arith.constant 128 : i32
        %mul3A_181 = arith.muli %scan3A_175, %mul3A_180 : i32
        %get3A_182 = arith.index_cast %scan3A_155 : i32 to index
        %get3A_183 = arith.index_cast %mul3A_181 : i32 to index
        %get3A_184 = tpu.vector_load %arg7[%get3A_182, %get3A_183] {strides = array<i32>} : memref<8x4096xf32, #tpu.memory_space<vmem>>, vector<16xf32>,
        %add3A_185 = arith.addf %scan3A_176, %get3A_184 : vector<16xf32>
        %add3A_186 = arith.constant 16 : i32
        %add3A_187 = arith.addi %mul3A_181, %add3A_186 : i32
        %get3A_188 = arith.index_cast %scan3A_155 : i32 to index
        %get3A_189 = arith.index_cast %add3A_187 : i32 to index
        %get3A_190 = tpu.vector_load %arg7[%get3A_188, %get3A_189] {strides = array<i32>} : memref<8x4096xf32, #tpu.memory_space<vmem>>, vector<16xf32>,
        %add3A_191 = arith.addf %scan3A_177, %get3A_190 : vector<16xf32>
        %add3A_192 = arith.constant 32 : i32
        %add3A_193 = arith.addi %mul3A_181, %add3A_192 : i32
        %get3A_194 = arith.index_cast %scan3A_155 : i32 to index
        %get3A_195 = arith.index_cast %add3A_193 : i32 to index
        %get3A_196 = tpu.vector_load %arg7[%get3A_194, %get3A_195] {strides = array<i32>} : memref<8x4096xf32, #tpu.memory_space<vmem>>, vector<16xf32>,
        %add3A_197 = arith.addf %scan3A_178, %get3A_196 : vector<16xf32>
        %add3A_198 = arith.constant 48 : i32
        %add3A_199 = arith.addi %mul3A_181, %add3A_198 : i32
        %get3A_200 = arith.index_cast %scan3A_155 : i32 to index
        %get3A_201 = arith.index_cast %add3A_199 : i32 to index
        %get3A_202 = tpu.vector_load %arg7[%get3A_200, %get3A_201] {strides = array<i32>} : memref<8x4096xf32, #tpu.memory_space<vmem>>, vector<16xf32>,
        %add3A_203 = arith.addf %scan3A_179, %get3A_202 : vector<16xf32>
        %add3A_204 = arith.constant 64 : i32
        %add3A_205 = arith.addi %mul3A_181, %add3A_204 : i32
        %get3A_206 = arith.index_cast %scan3A_155 : i32 to index
        %get3A_207 = arith.index_cast %add3A_205 : i32 to index
        %get3A_208 = tpu.vector_load %arg7[%get3A_206, %get3A_207] {strides = array<i32>} : memref<8x4096xf32, #tpu.memory_space<vmem>>, vector<16xf32>,
        %add3A_209 = arith.addf %add3A_185, %get3A_208 : vector<16xf32>
        %add3A_210 = arith.constant 80 : i32
        %add3A_211 = arith.addi %mul3A_181, %add3A_210 : i32
        %get3A_212 = arith.index_cast %scan3A_155 : i32 to index
        %get3A_213 = arith.index_cast %add3A_211 : i32 to index
        %get3A_214 = tpu.vector_load %arg7[%get3A_212, %get3A_213] {strides = array<i32>} : memref<8x4096xf32, #tpu.memory_space<vmem>>, vector<16xf32>,
        %add3A_215 = arith.addf %add3A_191, %get3A_214 : vector<16xf32>
        %add3A_216 = arith.constant 96 : i32
        %add3A_217 = arith.addi %mul3A_181, %add3A_216 : i32
        %get3A_218 = arith.index_cast %scan3A_155 : i32 to index
        %get3A_219 = arith.index_cast %add3A_217 : i32 to index
        %get3A_220 = tpu.vector_load %arg7[%get3A_218, %get3A_219] {strides = array<i32>} : memref<8x4096xf32, #tpu.memory_space<vmem>>, vector<16xf32>,
        %add3A_221 = arith.addf %add3A_197, %get3A_220 : vector<16xf32>
        %add3A_222 = arith.constant 112 : i32
        %add3A_223 = arith.addi %mul3A_181, %add3A_222 : i32
        %get3A_224 = arith.index_cast %scan3A_155 : i32 to index
        %get3A_225 = arith.index_cast %add3A_223 : i32 to index
        %get3A_226 = tpu.vector_load %arg7[%get3A_224, %get3A_225] {strides = array<i32>} : memref<8x4096xf32, #tpu.memory_space<vmem>>, vector<16xf32>,
        %add3A_227 = arith.addf %add3A_203, %get3A_226 : vector<16xf32>
        scf.yield %add3A_209, %add3A_215, %add3A_221, %add3A_227 : vector<16xf32>, vector<16xf32>, vector<16xf32>, vector<16xf32>
      }
      %scan3A_164 = arith.constant 32 : i32
      %add3A_165 = arith.addf %scan3A_163#0, %scan3A_163#1 : vector<16xf32>
      %add3A_166 = arith.addf %scan3A_163#2, %scan3A_163#3 : vector<16xf32>
      %add3A_167 = arith.addf %add3A_165, %add3A_166 : vector<16xf32>
      %reduce_sum3A = arith.constant true
      %reduce_sum3A_168 = vector.broadcast %reduce_sum3A : i1 to vector<16xi1>
      %reduce_sum3A_169 = tpu.scan <sum>, %add3A_167 masked %reduce_sum3A_168 : vector<16xf32>, vector<16xi1> -> vector<16xf32>
      %reduce_sum3A_170 = vector.extract %reduce_sum3A_169[15] : f32 from vector<16xf32>
      %add3A_171 = arith.constant 8 : i32
      %add3A_172 = arith.addi %scan3A_155, %add3A_171 : i32
      %eq3A = vector.broadcast %add3A_172 : i32 to vector<16xi32>
      %eq3A_173 = arith.cmpi eq, %iota3A, %eq3A : vector<16xi32>
      %broadcast_in_dim3A_174 = vector.broadcast %reduce_sum3A_170 : f32 to vector<16xf32>
      %select_n3A = arith.select %eq3A_173, %broadcast_in_dim3A_174, %scan3A_156 : vector<16xi1>, vector<16xf32>
      scf.yield %select_n3A : vector<16xf32>
    }
    %scan3A_39 = arith.constant 8 : i32
    %mul3A_40 = vector.broadcast %squeeze3A : f32 to vector<16xf32>
    %mul3A_41 = arith.mulf %scan3A_38, %mul3A_40 : vector<16xf32>
    %swap3A = arith.constant 0 : index
    %swap3A_42 = tpu.vector_load %arg8[%swap3A] {strides = array<i32>} : memref<64xf32, #tpu.memory_space<vmem>>, vector<16xf32>,
    tpu.vector_store %arg8[%swap3A], %mul3A_41 {strides = array<i32>} : memref<64xf32, #tpu.memory_space<vmem>>, vector<16xf32>,
    %broadcast_in_dim3A_43 = arith.constant 0.000000e+00 : f32
    %broadcast_in_dim3A_44 = vector.broadcast %broadcast_in_dim3A_43 : f32 to vector<16xf32>
    %add3A_45 = arith.constant 24 : i32
    %add3A_46 = arith.addi %add3A_4, %add3A_45 : i32
    %dma_start3A_47 = arith.constant 0 : i32
    %dma_start3A_48 = tpu.memref_slice %arg3[%add3A_46, %dma_start3A_47] : memref<4096x4096xf32, #tpu.memory_space<hbm>> -> memref<8x4096xf32, #tpu.memory_space<hbm>>
    %dma_start3A_49 = arith.constant 0 : i32
    %dma_start3A_50 = tpu.memref_slice %arg3[%add3A_46, %dma_start3A_49] : memref<4096x4096xf32, #tpu.memory_space<hbm>> -> memref<8x4096xf32, #tpu.memory_space<hbm>>
    tpu.enqueue_dma source(%dma_start3A_50 : memref<8x4096xf32, #tpu.memory_space<hbm>>) target(%arg7 : memref<8x4096xf32, #tpu.memory_space<vmem>>) target_semaphore(%arg10 : memref<!tpu.dma_semaphore, #tpu.memory_space<semaphore_mem>>)
    %dma_wait3A_51 = arith.constant 0 : i32
    %dma_wait3A_52 = tpu.memref_slice %arg3[%add3A_25, %dma_wait3A_51] : memref<4096x4096xf32, #tpu.memory_space<hbm>> -> memref<8x4096xf32, #tpu.memory_space<hbm>>
    %dma_wait3A_53 = arith.constant 0 : i32
    %dma_wait3A_54 = tpu.memref_slice %arg3[%add3A_25, %dma_wait3A_53] : memref<4096x4096xf32, #tpu.memory_space<hbm>> -> memref<8x4096xf32, #tpu.memory_space<hbm>>
    tpu.wait_dma2 semaphore(%arg9 : memref<!tpu.dma_semaphore, #tpu.memory_space<semaphore_mem>>) src(%dma_wait3A_54 : memref<8x4096xf32, #tpu.memory_space<hbm>>) dst(%arg6 : memref<8x4096xf32, #tpu.memory_space<vmem>>)
    %scan3A_55 = arith.constant 0 : i32
    %scan3A_56 = arith.constant 8 : i32
    %scan3A_57 = arith.addi %scan3A_55, %scan3A_56 : i32
    %scan3A_58 = arith.constant 1 : i32
    %scan3A_59 = scf.for %scan3A_155 = %scan3A_55 to %scan3A_57 step %scan3A_58 iter_args(%scan3A_156 = %broadcast_in_dim3A_44) -> (vector<16xf32>)  : i32 {
      %broadcast_in_dim3A_157 = arith.constant 0.000000e+00 : f32
      %broadcast_in_dim3A_158 = vector.broadcast %broadcast_in_dim3A_157 : f32 to vector<16xf32>
      %scan3A_159 = arith.constant 0 : i32
      %scan3A_160 = arith.constant 32 : i32
      %scan3A_161 = arith.addi %scan3A_159, %scan3A_160 : i32
      %scan3A_162 = arith.constant 1 : i32
      %scan3A_163:4 = scf.for %scan3A_175 = %scan3A_159 to %scan3A_161 step %scan3A_162 iter_args(%scan3A_176 = %broadcast_in_dim3A_158, %scan3A_177 = %broadcast_in_dim3A_158, %scan3A_178 = %broadcast_in_dim3A_158, %scan3A_179 = %broadcast_in_dim3A_158) -> (vector<16xf32>, vector<16xf32>, vector<16xf32>, vector<16xf32>)  : i32 {
        %mul3A_180 = arith.constant 128 : i32
        %mul3A_181 = arith.muli %scan3A_175, %mul3A_180 : i32
        %get3A_182 = arith.index_cast %scan3A_155 : i32 to index
        %get3A_183 = arith.index_cast %mul3A_181 : i32 to index
        %get3A_184 = tpu.vector_load %arg6[%get3A_182, %get3A_183] {strides = array<i32>} : memref<8x4096xf32, #tpu.memory_space<vmem>>, vector<16xf32>,
        %add3A_185 = arith.addf %scan3A_176, %get3A_184 : vector<16xf32>
        %add3A_186 = arith.constant 16 : i32
        %add3A_187 = arith.addi %mul3A_181, %add3A_186 : i32
        %get3A_188 = arith.index_cast %scan3A_155 : i32 to index
        %get3A_189 = arith.index_cast %add3A_187 : i32 to index
        %get3A_190 = tpu.vector_load %arg6[%get3A_188, %get3A_189] {strides = array<i32>} : memref<8x4096xf32, #tpu.memory_space<vmem>>, vector<16xf32>,
        %add3A_191 = arith.addf %scan3A_177, %get3A_190 : vector<16xf32>
        %add3A_192 = arith.constant 32 : i32
        %add3A_193 = arith.addi %mul3A_181, %add3A_192 : i32
        %get3A_194 = arith.index_cast %scan3A_155 : i32 to index
        %get3A_195 = arith.index_cast %add3A_193 : i32 to index
        %get3A_196 = tpu.vector_load %arg6[%get3A_194, %get3A_195] {strides = array<i32>} : memref<8x4096xf32, #tpu.memory_space<vmem>>, vector<16xf32>,
        %add3A_197 = arith.addf %scan3A_178, %get3A_196 : vector<16xf32>
        %add3A_198 = arith.constant 48 : i32
        %add3A_199 = arith.addi %mul3A_181, %add3A_198 : i32
        %get3A_200 = arith.index_cast %scan3A_155 : i32 to index
        %get3A_201 = arith.index_cast %add3A_199 : i32 to index
        %get3A_202 = tpu.vector_load %arg6[%get3A_200, %get3A_201] {strides = array<i32>} : memref<8x4096xf32, #tpu.memory_space<vmem>>, vector<16xf32>,
        %add3A_203 = arith.addf %scan3A_179, %get3A_202 : vector<16xf32>
        %add3A_204 = arith.constant 64 : i32
        %add3A_205 = arith.addi %mul3A_181, %add3A_204 : i32
        %get3A_206 = arith.index_cast %scan3A_155 : i32 to index
        %get3A_207 = arith.index_cast %add3A_205 : i32 to index
        %get3A_208 = tpu.vector_load %arg6[%get3A_206, %get3A_207] {strides = array<i32>} : memref<8x4096xf32, #tpu.memory_space<vmem>>, vector<16xf32>,
        %add3A_209 = arith.addf %add3A_185, %get3A_208 : vector<16xf32>
        %add3A_210 = arith.constant 80 : i32
        %add3A_211 = arith.addi %mul3A_181, %add3A_210 : i32
        %get3A_212 = arith.index_cast %scan3A_155 : i32 to index
        %get3A_213 = arith.index_cast %add3A_211 : i32 to index
        %get3A_214 = tpu.vector_load %arg6[%get3A_212, %get3A_213] {strides = array<i32>} : memref<8x4096xf32, #tpu.memory_space<vmem>>, vector<16xf32>,
        %add3A_215 = arith.addf %add3A_191, %get3A_214 : vector<16xf32>
        %add3A_216 = arith.constant 96 : i32
        %add3A_217 = arith.addi %mul3A_181, %add3A_216 : i32
        %get3A_218 = arith.index_cast %scan3A_155 : i32 to index
        %get3A_219 = arith.index_cast %add3A_217 : i32 to index
        %get3A_220 = tpu.vector_load %arg6[%get3A_218, %get3A_219] {strides = array<i32>} : memref<8x4096xf32, #tpu.memory_space<vmem>>, vector<16xf32>,
        %add3A_221 = arith.addf %add3A_197, %get3A_220 : vector<16xf32>
        %add3A_222 = arith.constant 112 : i32
        %add3A_223 = arith.addi %mul3A_181, %add3A_222 : i32
        %get3A_224 = arith.index_cast %scan3A_155 : i32 to index
        %get3A_225 = arith.index_cast %add3A_223 : i32 to index
        %get3A_226 = tpu.vector_load %arg6[%get3A_224, %get3A_225] {strides = array<i32>} : memref<8x4096xf32, #tpu.memory_space<vmem>>, vector<16xf32>,
        %add3A_227 = arith.addf %add3A_203, %get3A_226 : vector<16xf32>
        scf.yield %add3A_209, %add3A_215, %add3A_221, %add3A_227 : vector<16xf32>, vector<16xf32>, vector<16xf32>, vector<16xf32>
      }
      %scan3A_164 = arith.constant 32 : i32
      %add3A_165 = arith.addf %scan3A_163#0, %scan3A_163#1 : vector<16xf32>
      %add3A_166 = arith.addf %scan3A_163#2, %scan3A_163#3 : vector<16xf32>
      %add3A_167 = arith.addf %add3A_165, %add3A_166 : vector<16xf32>
      %reduce_sum3A = arith.constant true
      %reduce_sum3A_168 = vector.broadcast %reduce_sum3A : i1 to vector<16xi1>
      %reduce_sum3A_169 = tpu.scan <sum>, %add3A_167 masked %reduce_sum3A_168 : vector<16xf32>, vector<16xi1> -> vector<16xf32>
      %reduce_sum3A_170 = vector.extract %reduce_sum3A_169[15] : f32 from vector<16xf32>
      %add3A_171 = arith.constant 0 : i32
      %add3A_172 = arith.addi %scan3A_155, %add3A_171 : i32
      %eq3A = vector.broadcast %add3A_172 : i32 to vector<16xi32>
      %eq3A_173 = arith.cmpi eq, %iota3A, %eq3A : vector<16xi32>
      %broadcast_in_dim3A_174 = vector.broadcast %reduce_sum3A_170 : f32 to vector<16xf32>
      %select_n3A = arith.select %eq3A_173, %broadcast_in_dim3A_174, %scan3A_156 : vector<16xi1>, vector<16xf32>
      scf.yield %select_n3A : vector<16xf32>
    }
    %scan3A_60 = arith.constant 8 : i32
    %add3A_61 = arith.constant 32 : i32
    %add3A_62 = arith.addi %add3A_4, %add3A_61 : i32
    %dma_start3A_63 = arith.constant 0 : i32
    %dma_start3A_64 = tpu.memref_slice %arg3[%add3A_62, %dma_start3A_63] : memref<4096x4096xf32, #tpu.memory_space<hbm>> -> memref<8x4096xf32, #tpu.memory_space<hbm>>
    %dma_start3A_65 = arith.constant 0 : i32
    %dma_start3A_66 = tpu.memref_slice %arg3[%add3A_62, %dma_start3A_65] : memref<4096x4096xf32, #tpu.memory_space<hbm>> -> memref<8x4096xf32, #tpu.memory_space<hbm>>
    tpu.enqueue_dma source(%dma_start3A_66 : memref<8x4096xf32, #tpu.memory_space<hbm>>) target(%arg6 : memref<8x4096xf32, #tpu.memory_space<vmem>>) target_semaphore(%arg9 : memref<!tpu.dma_semaphore, #tpu.memory_space<semaphore_mem>>)
    %dma_wait3A_67 = arith.constant 0 : i32
    %dma_wait3A_68 = tpu.memref_slice %arg3[%add3A_46, %dma_wait3A_67] : memref<4096x4096xf32, #tpu.memory_space<hbm>> -> memref<8x4096xf32, #tpu.memory_space<hbm>>
    %dma_wait3A_69 = arith.constant 0 : i32
    %dma_wait3A_70 = tpu.memref_slice %arg3[%add3A_46, %dma_wait3A_69] : memref<4096x4096xf32, #tpu.memory_space<hbm>> -> memref<8x4096xf32, #tpu.memory_space<hbm>>
    tpu.wait_dma2 semaphore(%arg10 : memref<!tpu.dma_semaphore, #tpu.memory_space<semaphore_mem>>) src(%dma_wait3A_70 : memref<8x4096xf32, #tpu.memory_space<hbm>>) dst(%arg7 : memref<8x4096xf32, #tpu.memory_space<vmem>>)
    %scan3A_71 = arith.constant 0 : i32
    %scan3A_72 = arith.constant 8 : i32
    %scan3A_73 = arith.addi %scan3A_71, %scan3A_72 : i32
    %scan3A_74 = arith.constant 1 : i32
    %scan3A_75 = scf.for %scan3A_155 = %scan3A_71 to %scan3A_73 step %scan3A_74 iter_args(%scan3A_156 = %scan3A_59) -> (vector<16xf32>)  : i32 {
      %broadcast_in_dim3A_157 = arith.constant 0.000000e+00 : f32
      %broadcast_in_dim3A_158 = vector.broadcast %broadcast_in_dim3A_157 : f32 to vector<16xf32>
      %scan3A_159 = arith.constant 0 : i32
      %scan3A_160 = arith.constant 32 : i32
      %scan3A_161 = arith.addi %scan3A_159, %scan3A_160 : i32
      %scan3A_162 = arith.constant 1 : i32
      %scan3A_163:4 = scf.for %scan3A_175 = %scan3A_159 to %scan3A_161 step %scan3A_162 iter_args(%scan3A_176 = %broadcast_in_dim3A_158, %scan3A_177 = %broadcast_in_dim3A_158, %scan3A_178 = %broadcast_in_dim3A_158, %scan3A_179 = %broadcast_in_dim3A_158) -> (vector<16xf32>, vector<16xf32>, vector<16xf32>, vector<16xf32>)  : i32 {
        %mul3A_180 = arith.constant 128 : i32
        %mul3A_181 = arith.muli %scan3A_175, %mul3A_180 : i32
        %get3A_182 = arith.index_cast %scan3A_155 : i32 to index
        %get3A_183 = arith.index_cast %mul3A_181 : i32 to index
        %get3A_184 = tpu.vector_load %arg7[%get3A_182, %get3A_183] {strides = array<i32>} : memref<8x4096xf32, #tpu.memory_space<vmem>>, vector<16xf32>,
        %add3A_185 = arith.addf %scan3A_176, %get3A_184 : vector<16xf32>
        %add3A_186 = arith.constant 16 : i32
        %add3A_187 = arith.addi %mul3A_181, %add3A_186 : i32
        %get3A_188 = arith.index_cast %scan3A_155 : i32 to index
        %get3A_189 = arith.index_cast %add3A_187 : i32 to index
        %get3A_190 = tpu.vector_load %arg7[%get3A_188, %get3A_189] {strides = array<i32>} : memref<8x4096xf32, #tpu.memory_space<vmem>>, vector<16xf32>,
        %add3A_191 = arith.addf %scan3A_177, %get3A_190 : vector<16xf32>
        %add3A_192 = arith.constant 32 : i32
        %add3A_193 = arith.addi %mul3A_181, %add3A_192 : i32
        %get3A_194 = arith.index_cast %scan3A_155 : i32 to index
        %get3A_195 = arith.index_cast %add3A_193 : i32 to index
        %get3A_196 = tpu.vector_load %arg7[%get3A_194, %get3A_195] {strides = array<i32>} : memref<8x4096xf32, #tpu.memory_space<vmem>>, vector<16xf32>,
        %add3A_197 = arith.addf %scan3A_178, %get3A_196 : vector<16xf32>
        %add3A_198 = arith.constant 48 : i32
        %add3A_199 = arith.addi %mul3A_181, %add3A_198 : i32
        %get3A_200 = arith.index_cast %scan3A_155 : i32 to index
        %get3A_201 = arith.index_cast %add3A_199 : i32 to index
        %get3A_202 = tpu.vector_load %arg7[%get3A_200, %get3A_201] {strides = array<i32>} : memref<8x4096xf32, #tpu.memory_space<vmem>>, vector<16xf32>,
        %add3A_203 = arith.addf %scan3A_179, %get3A_202 : vector<16xf32>
        %add3A_204 = arith.constant 64 : i32
        %add3A_205 = arith.addi %mul3A_181, %add3A_204 : i32
        %get3A_206 = arith.index_cast %scan3A_155 : i32 to index
        %get3A_207 = arith.index_cast %add3A_205 : i32 to index
        %get3A_208 = tpu.vector_load %arg7[%get3A_206, %get3A_207] {strides = array<i32>} : memref<8x4096xf32, #tpu.memory_space<vmem>>, vector<16xf32>,
        %add3A_209 = arith.addf %add3A_185, %get3A_208 : vector<16xf32>
        %add3A_210 = arith.constant 80 : i32
        %add3A_211 = arith.addi %mul3A_181, %add3A_210 : i32
        %get3A_212 = arith.index_cast %scan3A_155 : i32 to index
        %get3A_213 = arith.index_cast %add3A_211 : i32 to index
        %get3A_214 = tpu.vector_load %arg7[%get3A_212, %get3A_213] {strides = array<i32>} : memref<8x4096xf32, #tpu.memory_space<vmem>>, vector<16xf32>,
        %add3A_215 = arith.addf %add3A_191, %get3A_214 : vector<16xf32>
        %add3A_216 = arith.constant 96 : i32
        %add3A_217 = arith.addi %mul3A_181, %add3A_216 : i32
        %get3A_218 = arith.index_cast %scan3A_155 : i32 to index
        %get3A_219 = arith.index_cast %add3A_217 : i32 to index
        %get3A_220 = tpu.vector_load %arg7[%get3A_218, %get3A_219] {strides = array<i32>} : memref<8x4096xf32, #tpu.memory_space<vmem>>, vector<16xf32>,
        %add3A_221 = arith.addf %add3A_197, %get3A_220 : vector<16xf32>
        %add3A_222 = arith.constant 112 : i32
        %add3A_223 = arith.addi %mul3A_181, %add3A_222 : i32
        %get3A_224 = arith.index_cast %scan3A_155 : i32 to index
        %get3A_225 = arith.index_cast %add3A_223 : i32 to index
        %get3A_226 = tpu.vector_load %arg7[%get3A_224, %get3A_225] {strides = array<i32>} : memref<8x4096xf32, #tpu.memory_space<vmem>>, vector<16xf32>,
        %add3A_227 = arith.addf %add3A_203, %get3A_226 : vector<16xf32>
        scf.yield %add3A_209, %add3A_215, %add3A_221, %add3A_227 : vector<16xf32>, vector<16xf32>, vector<16xf32>, vector<16xf32>
      }
      %scan3A_164 = arith.constant 32 : i32
      %add3A_165 = arith.addf %scan3A_163#0, %scan3A_163#1 : vector<16xf32>
      %add3A_166 = arith.addf %scan3A_163#2, %scan3A_163#3 : vector<16xf32>
      %add3A_167 = arith.addf %add3A_165, %add3A_166 : vector<16xf32>
      %reduce_sum3A = arith.constant true
      %reduce_sum3A_168 = vector.broadcast %reduce_sum3A : i1 to vector<16xi1>
      %reduce_sum3A_169 = tpu.scan <sum>, %add3A_167 masked %reduce_sum3A_168 : vector<16xf32>, vector<16xi1> -> vector<16xf32>
      %reduce_sum3A_170 = vector.extract %reduce_sum3A_169[15] : f32 from vector<16xf32>
      %add3A_171 = arith.constant 8 : i32
      %add3A_172 = arith.addi %scan3A_155, %add3A_171 : i32
      %eq3A = vector.broadcast %add3A_172 : i32 to vector<16xi32>
      %eq3A_173 = arith.cmpi eq, %iota3A, %eq3A : vector<16xi32>
      %broadcast_in_dim3A_174 = vector.broadcast %reduce_sum3A_170 : f32 to vector<16xf32>
      %select_n3A = arith.select %eq3A_173, %broadcast_in_dim3A_174, %scan3A_156 : vector<16xi1>, vector<16xf32>
      scf.yield %select_n3A : vector<16xf32>
    }
    %scan3A_76 = arith.constant 8 : i32
    %mul3A_77 = vector.broadcast %squeeze3A : f32 to vector<16xf32>
    %mul3A_78 = arith.mulf %scan3A_75, %mul3A_77 : vector<16xf32>
    %swap3A_79 = arith.constant 16 : index
    %swap3A_80 = tpu.vector_load %arg8[%swap3A_79] {strides = array<i32>} : memref<64xf32, #tpu.memory_space<vmem>>, vector<16xf32>,
    tpu.vector_store %arg8[%swap3A_79], %mul3A_78 {strides = array<i32>} : memref<64xf32, #tpu.memory_space<vmem>>, vector<16xf32>,
    %broadcast_in_dim3A_81 = arith.constant 0.000000e+00 : f32
    %broadcast_in_dim3A_82 = vector.broadcast %broadcast_in_dim3A_81 : f32 to vector<16xf32>
    %add3A_83 = arith.constant 40 : i32
    %add3A_84 = arith.addi %add3A_4, %add3A_83 : i32
    %dma_start3A_85 = arith.constant 0 : i32
    %dma_start3A_86 = tpu.memref_slice %arg3[%add3A_84, %dma_start3A_85] : memref<4096x4096xf32, #tpu.memory_space<hbm>> -> memref<8x4096xf32, #tpu.memory_space<hbm>>
    %dma_start3A_87 = arith.constant 0 : i32
    %dma_start3A_88 = tpu.memref_slice %arg3[%add3A_84, %dma_start3A_87] : memref<4096x4096xf32, #tpu.memory_space<hbm>> -> memref<8x4096xf32, #tpu.memory_space<hbm>>
    tpu.enqueue_dma source(%dma_start3A_88 : memref<8x4096xf32, #tpu.memory_space<hbm>>) target(%arg7 : memref<8x4096xf32, #tpu.memory_space<vmem>>) target_semaphore(%arg10 : memref<!tpu.dma_semaphore, #tpu.memory_space<semaphore_mem>>)
    %dma_wait3A_89 = arith.constant 0 : i32
    %dma_wait3A_90 = tpu.memref_slice %arg3[%add3A_62, %dma_wait3A_89] : memref<4096x4096xf32, #tpu.memory_space<hbm>> -> memref<8x4096xf32, #tpu.memory_space<hbm>>
    %dma_wait3A_91 = arith.constant 0 : i32
    %dma_wait3A_92 = tpu.memref_slice %arg3[%add3A_62, %dma_wait3A_91] : memref<4096x4096xf32, #tpu.memory_space<hbm>> -> memref<8x4096xf32, #tpu.memory_space<hbm>>
    tpu.wait_dma2 semaphore(%arg9 : memref<!tpu.dma_semaphore, #tpu.memory_space<semaphore_mem>>) src(%dma_wait3A_92 : memref<8x4096xf32, #tpu.memory_space<hbm>>) dst(%arg6 : memref<8x4096xf32, #tpu.memory_space<vmem>>)
    %scan3A_93 = arith.constant 0 : i32
    %scan3A_94 = arith.constant 8 : i32
    %scan3A_95 = arith.addi %scan3A_93, %scan3A_94 : i32
    %scan3A_96 = arith.constant 1 : i32
    %scan3A_97 = scf.for %scan3A_155 = %scan3A_93 to %scan3A_95 step %scan3A_96 iter_args(%scan3A_156 = %broadcast_in_dim3A_82) -> (vector<16xf32>)  : i32 {
      %broadcast_in_dim3A_157 = arith.constant 0.000000e+00 : f32
      %broadcast_in_dim3A_158 = vector.broadcast %broadcast_in_dim3A_157 : f32 to vector<16xf32>
      %scan3A_159 = arith.constant 0 : i32
      %scan3A_160 = arith.constant 32 : i32
      %scan3A_161 = arith.addi %scan3A_159, %scan3A_160 : i32
      %scan3A_162 = arith.constant 1 : i32
      %scan3A_163:4 = scf.for %scan3A_175 = %scan3A_159 to %scan3A_161 step %scan3A_162 iter_args(%scan3A_176 = %broadcast_in_dim3A_158, %scan3A_177 = %broadcast_in_dim3A_158, %scan3A_178 = %broadcast_in_dim3A_158, %scan3A_179 = %broadcast_in_dim3A_158) -> (vector<16xf32>, vector<16xf32>, vector<16xf32>, vector<16xf32>)  : i32 {
        %mul3A_180 = arith.constant 128 : i32
        %mul3A_181 = arith.muli %scan3A_175, %mul3A_180 : i32
        %get3A_182 = arith.index_cast %scan3A_155 : i32 to index
        %get3A_183 = arith.index_cast %mul3A_181 : i32 to index
        %get3A_184 = tpu.vector_load %arg6[%get3A_182, %get3A_183] {strides = array<i32>} : memref<8x4096xf32, #tpu.memory_space<vmem>>, vector<16xf32>,
        %add3A_185 = arith.addf %scan3A_176, %get3A_184 : vector<16xf32>
        %add3A_186 = arith.constant 16 : i32
        %add3A_187 = arith.addi %mul3A_181, %add3A_186 : i32
        %get3A_188 = arith.index_cast %scan3A_155 : i32 to index
        %get3A_189 = arith.index_cast %add3A_187 : i32 to index
        %get3A_190 = tpu.vector_load %arg6[%get3A_188, %get3A_189] {strides = array<i32>} : memref<8x4096xf32, #tpu.memory_space<vmem>>, vector<16xf32>,
        %add3A_191 = arith.addf %scan3A_177, %get3A_190 : vector<16xf32>
        %add3A_192 = arith.constant 32 : i32
        %add3A_193 = arith.addi %mul3A_181, %add3A_192 : i32
        %get3A_194 = arith.index_cast %scan3A_155 : i32 to index
        %get3A_195 = arith.index_cast %add3A_193 : i32 to index
        %get3A_196 = tpu.vector_load %arg6[%get3A_194, %get3A_195] {strides = array<i32>} : memref<8x4096xf32, #tpu.memory_space<vmem>>, vector<16xf32>,
        %add3A_197 = arith.addf %scan3A_178, %get3A_196 : vector<16xf32>
        %add3A_198 = arith.constant 48 : i32
        %add3A_199 = arith.addi %mul3A_181, %add3A_198 : i32
        %get3A_200 = arith.index_cast %scan3A_155 : i32 to index
        %get3A_201 = arith.index_cast %add3A_199 : i32 to index
        %get3A_202 = tpu.vector_load %arg6[%get3A_200, %get3A_201] {strides = array<i32>} : memref<8x4096xf32, #tpu.memory_space<vmem>>, vector<16xf32>,
        %add3A_203 = arith.addf %scan3A_179, %get3A_202 : vector<16xf32>
        %add3A_204 = arith.constant 64 : i32
        %add3A_205 = arith.addi %mul3A_181, %add3A_204 : i32
        %get3A_206 = arith.index_cast %scan3A_155 : i32 to index
        %get3A_207 = arith.index_cast %add3A_205 : i32 to index
        %get3A_208 = tpu.vector_load %arg6[%get3A_206, %get3A_207] {strides = array<i32>} : memref<8x4096xf32, #tpu.memory_space<vmem>>, vector<16xf32>,
        %add3A_209 = arith.addf %add3A_185, %get3A_208 : vector<16xf32>
        %add3A_210 = arith.constant 80 : i32
        %add3A_211 = arith.addi %mul3A_181, %add3A_210 : i32
        %get3A_212 = arith.index_cast %scan3A_155 : i32 to index
        %get3A_213 = arith.index_cast %add3A_211 : i32 to index
        %get3A_214 = tpu.vector_load %arg6[%get3A_212, %get3A_213] {strides = array<i32>} : memref<8x4096xf32, #tpu.memory_space<vmem>>, vector<16xf32>,
        %add3A_215 = arith.addf %add3A_191, %get3A_214 : vector<16xf32>
        %add3A_216 = arith.constant 96 : i32
        %add3A_217 = arith.addi %mul3A_181, %add3A_216 : i32
        %get3A_218 = arith.index_cast %scan3A_155 : i32 to index
        %get3A_219 = arith.index_cast %add3A_217 : i32 to index
        %get3A_220 = tpu.vector_load %arg6[%get3A_218, %get3A_219] {strides = array<i32>} : memref<8x4096xf32, #tpu.memory_space<vmem>>, vector<16xf32>,
        %add3A_221 = arith.addf %add3A_197, %get3A_220 : vector<16xf32>
        %add3A_222 = arith.constant 112 : i32
        %add3A_223 = arith.addi %mul3A_181, %add3A_222 : i32
        %get3A_224 = arith.index_cast %scan3A_155 : i32 to index
        %get3A_225 = arith.index_cast %add3A_223 : i32 to index
        %get3A_226 = tpu.vector_load %arg6[%get3A_224, %get3A_225] {strides = array<i32>} : memref<8x4096xf32, #tpu.memory_space<vmem>>, vector<16xf32>,
        %add3A_227 = arith.addf %add3A_203, %get3A_226 : vector<16xf32>
        scf.yield %add3A_209, %add3A_215, %add3A_221, %add3A_227 : vector<16xf32>, vector<16xf32>, vector<16xf32>, vector<16xf32>
      }
      %scan3A_164 = arith.constant 32 : i32
      %add3A_165 = arith.addf %scan3A_163#0, %scan3A_163#1 : vector<16xf32>
      %add3A_166 = arith.addf %scan3A_163#2, %scan3A_163#3 : vector<16xf32>
      %add3A_167 = arith.addf %add3A_165, %add3A_166 : vector<16xf32>
      %reduce_sum3A = arith.constant true
      %reduce_sum3A_168 = vector.broadcast %reduce_sum3A : i1 to vector<16xi1>
      %reduce_sum3A_169 = tpu.scan <sum>, %add3A_167 masked %reduce_sum3A_168 : vector<16xf32>, vector<16xi1> -> vector<16xf32>
      %reduce_sum3A_170 = vector.extract %reduce_sum3A_169[15] : f32 from vector<16xf32>
      %add3A_171 = arith.constant 0 : i32
      %add3A_172 = arith.addi %scan3A_155, %add3A_171 : i32
      %eq3A = vector.broadcast %add3A_172 : i32 to vector<16xi32>
      %eq3A_173 = arith.cmpi eq, %iota3A, %eq3A : vector<16xi32>
      %broadcast_in_dim3A_174 = vector.broadcast %reduce_sum3A_170 : f32 to vector<16xf32>
      %select_n3A = arith.select %eq3A_173, %broadcast_in_dim3A_174, %scan3A_156 : vector<16xi1>, vector<16xf32>
      scf.yield %select_n3A : vector<16xf32>
    }
    %scan3A_98 = arith.constant 8 : i32
    %add3A_99 = arith.constant 48 : i32
    %add3A_100 = arith.addi %add3A_4, %add3A_99 : i32
    %dma_start3A_101 = arith.constant 0 : i32
    %dma_start3A_102 = tpu.memref_slice %arg3[%add3A_100, %dma_start3A_101] : memref<4096x4096xf32, #tpu.memory_space<hbm>> -> memref<8x4096xf32, #tpu.memory_space<hbm>>
    %dma_start3A_103 = arith.constant 0 : i32
    %dma_start3A_104 = tpu.memref_slice %arg3[%add3A_100, %dma_start3A_103] : memref<4096x4096xf32, #tpu.memory_space<hbm>> -> memref<8x4096xf32, #tpu.memory_space<hbm>>
    tpu.enqueue_dma source(%dma_start3A_104 : memref<8x4096xf32, #tpu.memory_space<hbm>>) target(%arg6 : memref<8x4096xf32, #tpu.memory_space<vmem>>) target_semaphore(%arg9 : memref<!tpu.dma_semaphore, #tpu.memory_space<semaphore_mem>>)
    %dma_wait3A_105 = arith.constant 0 : i32
    %dma_wait3A_106 = tpu.memref_slice %arg3[%add3A_84, %dma_wait3A_105] : memref<4096x4096xf32, #tpu.memory_space<hbm>> -> memref<8x4096xf32, #tpu.memory_space<hbm>>
    %dma_wait3A_107 = arith.constant 0 : i32
    %dma_wait3A_108 = tpu.memref_slice %arg3[%add3A_84, %dma_wait3A_107] : memref<4096x4096xf32, #tpu.memory_space<hbm>> -> memref<8x4096xf32, #tpu.memory_space<hbm>>
    tpu.wait_dma2 semaphore(%arg10 : memref<!tpu.dma_semaphore, #tpu.memory_space<semaphore_mem>>) src(%dma_wait3A_108 : memref<8x4096xf32, #tpu.memory_space<hbm>>) dst(%arg7 : memref<8x4096xf32, #tpu.memory_space<vmem>>)
    %scan3A_109 = arith.constant 0 : i32
    %scan3A_110 = arith.constant 8 : i32
    %scan3A_111 = arith.addi %scan3A_109, %scan3A_110 : i32
    %scan3A_112 = arith.constant 1 : i32
    %scan3A_113 = scf.for %scan3A_155 = %scan3A_109 to %scan3A_111 step %scan3A_112 iter_args(%scan3A_156 = %scan3A_97) -> (vector<16xf32>)  : i32 {
      %broadcast_in_dim3A_157 = arith.constant 0.000000e+00 : f32
      %broadcast_in_dim3A_158 = vector.broadcast %broadcast_in_dim3A_157 : f32 to vector<16xf32>
      %scan3A_159 = arith.constant 0 : i32
      %scan3A_160 = arith.constant 32 : i32
      %scan3A_161 = arith.addi %scan3A_159, %scan3A_160 : i32
      %scan3A_162 = arith.constant 1 : i32
      %scan3A_163:4 = scf.for %scan3A_175 = %scan3A_159 to %scan3A_161 step %scan3A_162 iter_args(%scan3A_176 = %broadcast_in_dim3A_158, %scan3A_177 = %broadcast_in_dim3A_158, %scan3A_178 = %broadcast_in_dim3A_158, %scan3A_179 = %broadcast_in_dim3A_158) -> (vector<16xf32>, vector<16xf32>, vector<16xf32>, vector<16xf32>)  : i32 {
        %mul3A_180 = arith.constant 128 : i32
        %mul3A_181 = arith.muli %scan3A_175, %mul3A_180 : i32
        %get3A_182 = arith.index_cast %scan3A_155 : i32 to index
        %get3A_183 = arith.index_cast %mul3A_181 : i32 to index
        %get3A_184 = tpu.vector_load %arg7[%get3A_182, %get3A_183] {strides = array<i32>} : memref<8x4096xf32, #tpu.memory_space<vmem>>, vector<16xf32>,
        %add3A_185 = arith.addf %scan3A_176, %get3A_184 : vector<16xf32>
        %add3A_186 = arith.constant 16 : i32
        %add3A_187 = arith.addi %mul3A_181, %add3A_186 : i32
        %get3A_188 = arith.index_cast %scan3A_155 : i32 to index
        %get3A_189 = arith.index_cast %add3A_187 : i32 to index
        %get3A_190 = tpu.vector_load %arg7[%get3A_188, %get3A_189] {strides = array<i32>} : memref<8x4096xf32, #tpu.memory_space<vmem>>, vector<16xf32>,
        %add3A_191 = arith.addf %scan3A_177, %get3A_190 : vector<16xf32>
        %add3A_192 = arith.constant 32 : i32
        %add3A_193 = arith.addi %mul3A_181, %add3A_192 : i32
        %get3A_194 = arith.index_cast %scan3A_155 : i32 to index
        %get3A_195 = arith.index_cast %add3A_193 : i32 to index
        %get3A_196 = tpu.vector_load %arg7[%get3A_194, %get3A_195] {strides = array<i32>} : memref<8x4096xf32, #tpu.memory_space<vmem>>, vector<16xf32>,
        %add3A_197 = arith.addf %scan3A_178, %get3A_196 : vector<16xf32>
        %add3A_198 = arith.constant 48 : i32
        %add3A_199 = arith.addi %mul3A_181, %add3A_198 : i32
        %get3A_200 = arith.index_cast %scan3A_155 : i32 to index
        %get3A_201 = arith.index_cast %add3A_199 : i32 to index
        %get3A_202 = tpu.vector_load %arg7[%get3A_200, %get3A_201] {strides = array<i32>} : memref<8x4096xf32, #tpu.memory_space<vmem>>, vector<16xf32>,
        %add3A_203 = arith.addf %scan3A_179, %get3A_202 : vector<16xf32>
        %add3A_204 = arith.constant 64 : i32
        %add3A_205 = arith.addi %mul3A_181, %add3A_204 : i32
        %get3A_206 = arith.index_cast %scan3A_155 : i32 to index
        %get3A_207 = arith.index_cast %add3A_205 : i32 to index
        %get3A_208 = tpu.vector_load %arg7[%get3A_206, %get3A_207] {strides = array<i32>} : memref<8x4096xf32, #tpu.memory_space<vmem>>, vector<16xf32>,
        %add3A_209 = arith.addf %add3A_185, %get3A_208 : vector<16xf32>
        %add3A_210 = arith.constant 80 : i32
        %add3A_211 = arith.addi %mul3A_181, %add3A_210 : i32
        %get3A_212 = arith.index_cast %scan3A_155 : i32 to index
        %get3A_213 = arith.index_cast %add3A_211 : i32 to index
        %get3A_214 = tpu.vector_load %arg7[%get3A_212, %get3A_213] {strides = array<i32>} : memref<8x4096xf32, #tpu.memory_space<vmem>>, vector<16xf32>,
        %add3A_215 = arith.addf %add3A_191, %get3A_214 : vector<16xf32>
        %add3A_216 = arith.constant 96 : i32
        %add3A_217 = arith.addi %mul3A_181, %add3A_216 : i32
        %get3A_218 = arith.index_cast %scan3A_155 : i32 to index
        %get3A_219 = arith.index_cast %add3A_217 : i32 to index
        %get3A_220 = tpu.vector_load %arg7[%get3A_218, %get3A_219] {strides = array<i32>} : memref<8x4096xf32, #tpu.memory_space<vmem>>, vector<16xf32>,
        %add3A_221 = arith.addf %add3A_197, %get3A_220 : vector<16xf32>
        %add3A_222 = arith.constant 112 : i32
        %add3A_223 = arith.addi %mul3A_181, %add3A_222 : i32
        %get3A_224 = arith.index_cast %scan3A_155 : i32 to index
        %get3A_225 = arith.index_cast %add3A_223 : i32 to index
        %get3A_226 = tpu.vector_load %arg7[%get3A_224, %get3A_225] {strides = array<i32>} : memref<8x4096xf32, #tpu.memory_space<vmem>>, vector<16xf32>,
        %add3A_227 = arith.addf %add3A_203, %get3A_226 : vector<16xf32>
        scf.yield %add3A_209, %add3A_215, %add3A_221, %add3A_227 : vector<16xf32>, vector<16xf32>, vector<16xf32>, vector<16xf32>
      }
      %scan3A_164 = arith.constant 32 : i32
      %add3A_165 = arith.addf %scan3A_163#0, %scan3A_163#1 : vector<16xf32>
      %add3A_166 = arith.addf %scan3A_163#2, %scan3A_163#3 : vector<16xf32>
      %add3A_167 = arith.addf %add3A_165, %add3A_166 : vector<16xf32>
      %reduce_sum3A = arith.constant true
      %reduce_sum3A_168 = vector.broadcast %reduce_sum3A : i1 to vector<16xi1>
      %reduce_sum3A_169 = tpu.scan <sum>, %add3A_167 masked %reduce_sum3A_168 : vector<16xf32>, vector<16xi1> -> vector<16xf32>
      %reduce_sum3A_170 = vector.extract %reduce_sum3A_169[15] : f32 from vector<16xf32>
      %add3A_171 = arith.constant 8 : i32
      %add3A_172 = arith.addi %scan3A_155, %add3A_171 : i32
      %eq3A = vector.broadcast %add3A_172 : i32 to vector<16xi32>
      %eq3A_173 = arith.cmpi eq, %iota3A, %eq3A : vector<16xi32>
      %broadcast_in_dim3A_174 = vector.broadcast %reduce_sum3A_170 : f32 to vector<16xf32>
      %select_n3A = arith.select %eq3A_173, %broadcast_in_dim3A_174, %scan3A_156 : vector<16xi1>, vector<16xf32>
      scf.yield %select_n3A : vector<16xf32>
    }
    %scan3A_114 = arith.constant 8 : i32
    %mul3A_115 = vector.broadcast %squeeze3A : f32 to vector<16xf32>
    %mul3A_116 = arith.mulf %scan3A_113, %mul3A_115 : vector<16xf32>
    %swap3A_117 = arith.constant 32 : index
    %swap3A_118 = tpu.vector_load %arg8[%swap3A_117] {strides = array<i32>} : memref<64xf32, #tpu.memory_space<vmem>>, vector<16xf32>,
    tpu.vector_store %arg8[%swap3A_117], %mul3A_116 {strides = array<i32>} : memref<64xf32, #tpu.memory_space<vmem>>, vector<16xf32>,
    %broadcast_in_dim3A_119 = arith.constant 0.000000e+00 : f32
    %broadcast_in_dim3A_120 = vector.broadcast %broadcast_in_dim3A_119 : f32 to vector<16xf32>
    %add3A_121 = arith.constant 56 : i32
    %add3A_122 = arith.addi %add3A_4, %add3A_121 : i32
    %dma_start3A_123 = arith.constant 0 : i32
    %dma_start3A_124 = tpu.memref_slice %arg3[%add3A_122, %dma_start3A_123] : memref<4096x4096xf32, #tpu.memory_space<hbm>> -> memref<8x4096xf32, #tpu.memory_space<hbm>>
    %dma_start3A_125 = arith.constant 0 : i32
    %dma_start3A_126 = tpu.memref_slice %arg3[%add3A_122, %dma_start3A_125] : memref<4096x4096xf32, #tpu.memory_space<hbm>> -> memref<8x4096xf32, #tpu.memory_space<hbm>>
    tpu.enqueue_dma source(%dma_start3A_126 : memref<8x4096xf32, #tpu.memory_space<hbm>>) target(%arg7 : memref<8x4096xf32, #tpu.memory_space<vmem>>) target_semaphore(%arg10 : memref<!tpu.dma_semaphore, #tpu.memory_space<semaphore_mem>>)
    %dma_wait3A_127 = arith.constant 0 : i32
    %dma_wait3A_128 = tpu.memref_slice %arg3[%add3A_100, %dma_wait3A_127] : memref<4096x4096xf32, #tpu.memory_space<hbm>> -> memref<8x4096xf32, #tpu.memory_space<hbm>>
    %dma_wait3A_129 = arith.constant 0 : i32
    %dma_wait3A_130 = tpu.memref_slice %arg3[%add3A_100, %dma_wait3A_129] : memref<4096x4096xf32, #tpu.memory_space<hbm>> -> memref<8x4096xf32, #tpu.memory_space<hbm>>
    tpu.wait_dma2 semaphore(%arg9 : memref<!tpu.dma_semaphore, #tpu.memory_space<semaphore_mem>>) src(%dma_wait3A_130 : memref<8x4096xf32, #tpu.memory_space<hbm>>) dst(%arg6 : memref<8x4096xf32, #tpu.memory_space<vmem>>)
    %scan3A_131 = arith.constant 0 : i32
    %scan3A_132 = arith.constant 8 : i32
    %scan3A_133 = arith.addi %scan3A_131, %scan3A_132 : i32
    %scan3A_134 = arith.constant 1 : i32
    %scan3A_135 = scf.for %scan3A_155 = %scan3A_131 to %scan3A_133 step %scan3A_134 iter_args(%scan3A_156 = %broadcast_in_dim3A_120) -> (vector<16xf32>)  : i32 {
      %broadcast_in_dim3A_157 = arith.constant 0.000000e+00 : f32
      %broadcast_in_dim3A_158 = vector.broadcast %broadcast_in_dim3A_157 : f32 to vector<16xf32>
      %scan3A_159 = arith.constant 0 : i32
      %scan3A_160 = arith.constant 32 : i32
      %scan3A_161 = arith.addi %scan3A_159, %scan3A_160 : i32
      %scan3A_162 = arith.constant 1 : i32
      %scan3A_163:4 = scf.for %scan3A_175 = %scan3A_159 to %scan3A_161 step %scan3A_162 iter_args(%scan3A_176 = %broadcast_in_dim3A_158, %scan3A_177 = %broadcast_in_dim3A_158, %scan3A_178 = %broadcast_in_dim3A_158, %scan3A_179 = %broadcast_in_dim3A_158) -> (vector<16xf32>, vector<16xf32>, vector<16xf32>, vector<16xf32>)  : i32 {
        %mul3A_180 = arith.constant 128 : i32
        %mul3A_181 = arith.muli %scan3A_175, %mul3A_180 : i32
        %get3A_182 = arith.index_cast %scan3A_155 : i32 to index
        %get3A_183 = arith.index_cast %mul3A_181 : i32 to index
        %get3A_184 = tpu.vector_load %arg6[%get3A_182, %get3A_183] {strides = array<i32>} : memref<8x4096xf32, #tpu.memory_space<vmem>>, vector<16xf32>,
        %add3A_185 = arith.addf %scan3A_176, %get3A_184 : vector<16xf32>
        %add3A_186 = arith.constant 16 : i32
        %add3A_187 = arith.addi %mul3A_181, %add3A_186 : i32
        %get3A_188 = arith.index_cast %scan3A_155 : i32 to index
        %get3A_189 = arith.index_cast %add3A_187 : i32 to index
        %get3A_190 = tpu.vector_load %arg6[%get3A_188, %get3A_189] {strides = array<i32>} : memref<8x4096xf32, #tpu.memory_space<vmem>>, vector<16xf32>,
        %add3A_191 = arith.addf %scan3A_177, %get3A_190 : vector<16xf32>
        %add3A_192 = arith.constant 32 : i32
        %add3A_193 = arith.addi %mul3A_181, %add3A_192 : i32
        %get3A_194 = arith.index_cast %scan3A_155 : i32 to index
        %get3A_195 = arith.index_cast %add3A_193 : i32 to index
        %get3A_196 = tpu.vector_load %arg6[%get3A_194, %get3A_195] {strides = array<i32>} : memref<8x4096xf32, #tpu.memory_space<vmem>>, vector<16xf32>,
        %add3A_197 = arith.addf %scan3A_178, %get3A_196 : vector<16xf32>
        %add3A_198 = arith.constant 48 : i32
        %add3A_199 = arith.addi %mul3A_181, %add3A_198 : i32
        %get3A_200 = arith.index_cast %scan3A_155 : i32 to index
        %get3A_201 = arith.index_cast %add3A_199 : i32 to index
        %get3A_202 = tpu.vector_load %arg6[%get3A_200, %get3A_201] {strides = array<i32>} : memref<8x4096xf32, #tpu.memory_space<vmem>>, vector<16xf32>,
        %add3A_203 = arith.addf %scan3A_179, %get3A_202 : vector<16xf32>
        %add3A_204 = arith.constant 64 : i32
        %add3A_205 = arith.addi %mul3A_181, %add3A_204 : i32
        %get3A_206 = arith.index_cast %scan3A_155 : i32 to index
        %get3A_207 = arith.index_cast %add3A_205 : i32 to index
        %get3A_208 = tpu.vector_load %arg6[%get3A_206, %get3A_207] {strides = array<i32>} : memref<8x4096xf32, #tpu.memory_space<vmem>>, vector<16xf32>,
        %add3A_209 = arith.addf %add3A_185, %get3A_208 : vector<16xf32>
        %add3A_210 = arith.constant 80 : i32
        %add3A_211 = arith.addi %mul3A_181, %add3A_210 : i32
        %get3A_212 = arith.index_cast %scan3A_155 : i32 to index
        %get3A_213 = arith.index_cast %add3A_211 : i32 to index
        %get3A_214 = tpu.vector_load %arg6[%get3A_212, %get3A_213] {strides = array<i32>} : memref<8x4096xf32, #tpu.memory_space<vmem>>, vector<16xf32>,
        %add3A_215 = arith.addf %add3A_191, %get3A_214 : vector<16xf32>
        %add3A_216 = arith.constant 96 : i32
        %add3A_217 = arith.addi %mul3A_181, %add3A_216 : i32
        %get3A_218 = arith.index_cast %scan3A_155 : i32 to index
        %get3A_219 = arith.index_cast %add3A_217 : i32 to index
        %get3A_220 = tpu.vector_load %arg6[%get3A_218, %get3A_219] {strides = array<i32>} : memref<8x4096xf32, #tpu.memory_space<vmem>>, vector<16xf32>,
        %add3A_221 = arith.addf %add3A_197, %get3A_220 : vector<16xf32>
        %add3A_222 = arith.constant 112 : i32
        %add3A_223 = arith.addi %mul3A_181, %add3A_222 : i32
        %get3A_224 = arith.index_cast %scan3A_155 : i32 to index
        %get3A_225 = arith.index_cast %add3A_223 : i32 to index
        %get3A_226 = tpu.vector_load %arg6[%get3A_224, %get3A_225] {strides = array<i32>} : memref<8x4096xf32, #tpu.memory_space<vmem>>, vector<16xf32>,
        %add3A_227 = arith.addf %add3A_203, %get3A_226 : vector<16xf32>
        scf.yield %add3A_209, %add3A_215, %add3A_221, %add3A_227 : vector<16xf32>, vector<16xf32>, vector<16xf32>, vector<16xf32>
      }
      %scan3A_164 = arith.constant 32 : i32
      %add3A_165 = arith.addf %scan3A_163#0, %scan3A_163#1 : vector<16xf32>
      %add3A_166 = arith.addf %scan3A_163#2, %scan3A_163#3 : vector<16xf32>
      %add3A_167 = arith.addf %add3A_165, %add3A_166 : vector<16xf32>
      %reduce_sum3A = arith.constant true
      %reduce_sum3A_168 = vector.broadcast %reduce_sum3A : i1 to vector<16xi1>
      %reduce_sum3A_169 = tpu.scan <sum>, %add3A_167 masked %reduce_sum3A_168 : vector<16xf32>, vector<16xi1> -> vector<16xf32>
      %reduce_sum3A_170 = vector.extract %reduce_sum3A_169[15] : f32 from vector<16xf32>
      %add3A_171 = arith.constant 0 : i32
      %add3A_172 = arith.addi %scan3A_155, %add3A_171 : i32
      %eq3A = vector.broadcast %add3A_172 : i32 to vector<16xi32>
      %eq3A_173 = arith.cmpi eq, %iota3A, %eq3A : vector<16xi32>
      %broadcast_in_dim3A_174 = vector.broadcast %reduce_sum3A_170 : f32 to vector<16xf32>
      %select_n3A = arith.select %eq3A_173, %broadcast_in_dim3A_174, %scan3A_156 : vector<16xi1>, vector<16xf32>
      scf.yield %select_n3A : vector<16xf32>
    }
    %scan3A_136 = arith.constant 8 : i32
    %dma_wait3A_137 = arith.constant 0 : i32
    %dma_wait3A_138 = tpu.memref_slice %arg3[%add3A_122, %dma_wait3A_137] : memref<4096x4096xf32, #tpu.memory_space<hbm>> -> memref<8x4096xf32, #tpu.memory_space<hbm>>
    %dma_wait3A_139 = arith.constant 0 : i32
    %dma_wait3A_140 = tpu.memref_slice %arg3[%add3A_122, %dma_wait3A_139] : memref<4096x4096xf32, #tpu.memory_space<hbm>> -> memref<8x4096xf32, #tpu.memory_space<hbm>>
    tpu.wait_dma2 semaphore(%arg10 : memref<!tpu.dma_semaphore, #tpu.memory_space<semaphore_mem>>) src(%dma_wait3A_140 : memref<8x4096xf32, #tpu.memory_space<hbm>>) dst(%arg7 : memref<8x4096xf32, #tpu.memory_space<vmem>>)
    %scan3A_141 = arith.constant 0 : i32
    %scan3A_142 = arith.constant 8 : i32
    %scan3A_143 = arith.addi %scan3A_141, %scan3A_142 : i32
    %scan3A_144 = arith.constant 1 : i32
    %scan3A_145 = scf.for %scan3A_155 = %scan3A_141 to %scan3A_143 step %scan3A_144 iter_args(%scan3A_156 = %scan3A_135) -> (vector<16xf32>)  : i32 {
      %broadcast_in_dim3A_157 = arith.constant 0.000000e+00 : f32
      %broadcast_in_dim3A_158 = vector.broadcast %broadcast_in_dim3A_157 : f32 to vector<16xf32>
      %scan3A_159 = arith.constant 0 : i32
      %scan3A_160 = arith.constant 32 : i32
      %scan3A_161 = arith.addi %scan3A_159, %scan3A_160 : i32
      %scan3A_162 = arith.constant 1 : i32
      %scan3A_163:4 = scf.for %scan3A_175 = %scan3A_159 to %scan3A_161 step %scan3A_162 iter_args(%scan3A_176 = %broadcast_in_dim3A_158, %scan3A_177 = %broadcast_in_dim3A_158, %scan3A_178 = %broadcast_in_dim3A_158, %scan3A_179 = %broadcast_in_dim3A_158) -> (vector<16xf32>, vector<16xf32>, vector<16xf32>, vector<16xf32>)  : i32 {
        %mul3A_180 = arith.constant 128 : i32
        %mul3A_181 = arith.muli %scan3A_175, %mul3A_180 : i32
        %get3A_182 = arith.index_cast %scan3A_155 : i32 to index
        %get3A_183 = arith.index_cast %mul3A_181 : i32 to index
        %get3A_184 = tpu.vector_load %arg7[%get3A_182, %get3A_183] {strides = array<i32>} : memref<8x4096xf32, #tpu.memory_space<vmem>>, vector<16xf32>,
        %add3A_185 = arith.addf %scan3A_176, %get3A_184 : vector<16xf32>
        %add3A_186 = arith.constant 16 : i32
        %add3A_187 = arith.addi %mul3A_181, %add3A_186 : i32
        %get3A_188 = arith.index_cast %scan3A_155 : i32 to index
        %get3A_189 = arith.index_cast %add3A_187 : i32 to index
        %get3A_190 = tpu.vector_load %arg7[%get3A_188, %get3A_189] {strides = array<i32>} : memref<8x4096xf32, #tpu.memory_space<vmem>>, vector<16xf32>,
        %add3A_191 = arith.addf %scan3A_177, %get3A_190 : vector<16xf32>
        %add3A_192 = arith.constant 32 : i32
        %add3A_193 = arith.addi %mul3A_181, %add3A_192 : i32
        %get3A_194 = arith.index_cast %scan3A_155 : i32 to index
        %get3A_195 = arith.index_cast %add3A_193 : i32 to index
        %get3A_196 = tpu.vector_load %arg7[%get3A_194, %get3A_195] {strides = array<i32>} : memref<8x4096xf32, #tpu.memory_space<vmem>>, vector<16xf32>,
        %add3A_197 = arith.addf %scan3A_178, %get3A_196 : vector<16xf32>
        %add3A_198 = arith.constant 48 : i32
        %add3A_199 = arith.addi %mul3A_181, %add3A_198 : i32
        %get3A_200 = arith.index_cast %scan3A_155 : i32 to index
        %get3A_201 = arith.index_cast %add3A_199 : i32 to index
        %get3A_202 = tpu.vector_load %arg7[%get3A_200, %get3A_201] {strides = array<i32>} : memref<8x4096xf32, #tpu.memory_space<vmem>>, vector<16xf32>,
        %add3A_203 = arith.addf %scan3A_179, %get3A_202 : vector<16xf32>
        %add3A_204 = arith.constant 64 : i32
        %add3A_205 = arith.addi %mul3A_181, %add3A_204 : i32
        %get3A_206 = arith.index_cast %scan3A_155 : i32 to index
        %get3A_207 = arith.index_cast %add3A_205 : i32 to index
        %get3A_208 = tpu.vector_load %arg7[%get3A_206, %get3A_207] {strides = array<i32>} : memref<8x4096xf32, #tpu.memory_space<vmem>>, vector<16xf32>,
        %add3A_209 = arith.addf %add3A_185, %get3A_208 : vector<16xf32>
        %add3A_210 = arith.constant 80 : i32
        %add3A_211 = arith.addi %mul3A_181, %add3A_210 : i32
        %get3A_212 = arith.index_cast %scan3A_155 : i32 to index
        %get3A_213 = arith.index_cast %add3A_211 : i32 to index
        %get3A_214 = tpu.vector_load %arg7[%get3A_212, %get3A_213] {strides = array<i32>} : memref<8x4096xf32, #tpu.memory_space<vmem>>, vector<16xf32>,
        %add3A_215 = arith.addf %add3A_191, %get3A_214 : vector<16xf32>
        %add3A_216 = arith.constant 96 : i32
        %add3A_217 = arith.addi %mul3A_181, %add3A_216 : i32
        %get3A_218 = arith.index_cast %scan3A_155 : i32 to index
        %get3A_219 = arith.index_cast %add3A_217 : i32 to index
        %get3A_220 = tpu.vector_load %arg7[%get3A_218, %get3A_219] {strides = array<i32>} : memref<8x4096xf32, #tpu.memory_space<vmem>>, vector<16xf32>,
        %add3A_221 = arith.addf %add3A_197, %get3A_220 : vector<16xf32>
        %add3A_222 = arith.constant 112 : i32
        %add3A_223 = arith.addi %mul3A_181, %add3A_222 : i32
        %get3A_224 = arith.index_cast %scan3A_155 : i32 to index
        %get3A_225 = arith.index_cast %add3A_223 : i32 to index
        %get3A_226 = tpu.vector_load %arg7[%get3A_224, %get3A_225] {strides = array<i32>} : memref<8x4096xf32, #tpu.memory_space<vmem>>, vector<16xf32>,
        %add3A_227 = arith.addf %add3A_203, %get3A_226 : vector<16xf32>
        scf.yield %add3A_209, %add3A_215, %add3A_221, %add3A_227 : vector<16xf32>, vector<16xf32>, vector<16xf32>, vector<16xf32>
      }
      %scan3A_164 = arith.constant 32 : i32
      %add3A_165 = arith.addf %scan3A_163#0, %scan3A_163#1 : vector<16xf32>
      %add3A_166 = arith.addf %scan3A_163#2, %scan3A_163#3 : vector<16xf32>
      %add3A_167 = arith.addf %add3A_165, %add3A_166 : vector<16xf32>
      %reduce_sum3A = arith.constant true
      %reduce_sum3A_168 = vector.broadcast %reduce_sum3A : i1 to vector<16xi1>
      %reduce_sum3A_169 = tpu.scan <sum>, %add3A_167 masked %reduce_sum3A_168 : vector<16xf32>, vector<16xi1> -> vector<16xf32>
      %reduce_sum3A_170 = vector.extract %reduce_sum3A_169[15] : f32 from vector<16xf32>
      %add3A_171 = arith.constant 8 : i32
      %add3A_172 = arith.addi %scan3A_155, %add3A_171 : i32
      %eq3A = vector.broadcast %add3A_172 : i32 to vector<16xi32>
      %eq3A_173 = arith.cmpi eq, %iota3A, %eq3A : vector<16xi32>
      %broadcast_in_dim3A_174 = vector.broadcast %reduce_sum3A_170 : f32 to vector<16xf32>
      %select_n3A = arith.select %eq3A_173, %broadcast_in_dim3A_174, %scan3A_156 : vector<16xi1>, vector<16xf32>
      scf.yield %select_n3A : vector<16xf32>
    }
    %scan3A_146 = arith.constant 8 : i32
    %mul3A_147 = vector.broadcast %squeeze3A : f32 to vector<16xf32>
    %mul3A_148 = arith.mulf %scan3A_145, %mul3A_147 : vector<16xf32>
    %swap3A_149 = arith.constant 48 : index
    %swap3A_150 = tpu.vector_load %arg8[%swap3A_149] {strides = array<i32>} : memref<64xf32, #tpu.memory_space<vmem>>, vector<16xf32>,
    tpu.vector_store %arg8[%swap3A_149], %mul3A_148 {strides = array<i32>} : memref<64xf32, #tpu.memory_space<vmem>>, vector<16xf32>,
    %broadcast_in_dim3A_151 = arith.constant 0.000000e+00 : f32
    %broadcast_in_dim3A_152 = vector.broadcast %broadcast_in_dim3A_151 : f32 to vector<16xf32>
    %mul3A_153 = arith.constant 64 : i32
    %mul3A_154 = arith.muli %add3A, %mul3A_153 : i32
    "tpu.region"() ({
      %run_scoped3A = tpu.sem_alloc : memref<!tpu.dma_semaphore, #tpu.memory_space<semaphore_mem>>
      %dma_start3A_155 = tpu.memref_slice %arg4[%mul3A_154] : memref<2048xf32, #tpu.memory_space<hbm>> -> memref<64xf32, #tpu.memory_space<hbm>>
      %dma_start3A_156 = tpu.memref_slice %arg4[%mul3A_154] : memref<2048xf32, #tpu.memory_space<hbm>> -> memref<64xf32, #tpu.memory_space<hbm>>
      tpu.enqueue_dma source(%arg8 : memref<64xf32, #tpu.memory_space<vmem>>) target(%dma_start3A_156 : memref<64xf32, #tpu.memory_space<hbm>>) target_semaphore(%run_scoped3A : memref<!tpu.dma_semaphore, #tpu.memory_space<semaphore_mem>>)
      %dma_wait3A_157 = tpu.memref_slice %arg4[%mul3A_154] : memref<2048xf32, #tpu.memory_space<hbm>> -> memref<64xf32, #tpu.memory_space<hbm>>
      %dma_wait3A_158 = tpu.memref_slice %arg4[%mul3A_154] : memref<2048xf32, #tpu.memory_space<hbm>> -> memref<64xf32, #tpu.memory_space<hbm>>
      tpu.wait_dma2 semaphore(%run_scoped3A : memref<!tpu.dma_semaphore, #tpu.memory_space<semaphore_mem>>) src(%arg8 : memref<64xf32, #tpu.memory_space<vmem>>) dst(%dma_wait3A_158 : memref<64xf32, #tpu.memory_space<hbm>>)
      tpu.yield
    }) : () -> ()
    return
  }
}

module attributes {stable_mosaic.version = 14 : i64} {
  func.func @_tc_body(%arg0: i32, %arg1: memref<1x1xf32, #tpu.memory_space<smem>>, %arg2: memref<512x4096xf32, #tpu.memory_space<vmem>>, %arg3: memref<512x1xf32, #tpu.memory_space<vmem>>) attributes {dimension_semantics = [#tpu.dimension_semantics<arbitrary>], iteration_bounds = array<i64: 4>, scalar_prefetch = 0 : i64, scratch_operands = 0 : i64, tpu.core_type = #tpu.core_type<tc>, window_params = [{transform_indices = @transform_0, window_bounds = array<i64: 1, 1>}, {transform_indices = @transform_1, window_bounds = array<i64: 512, 4096>}, {transform_indices = @transform_2, window_bounds = array<i64: 512, 1>}]} {
    %get3A = arith.constant 0 : index
    %get3A_0 = arith.constant 0 : index
    %get3A_1 = vector.load %arg2[%get3A, %get3A_0] : memref<512x4096xf32, #tpu.memory_space<vmem>>, vector<512x4096xf32>
    %reduce_sum3A = arith.constant dense<0.000000e+00> : vector<512xf32>
    %reduce_sum3A_2 = vector.multi_reduction <add>, %get3A_1, %reduce_sum3A [1] : vector<512x4096xf32> to vector<512xf32>
    %broadcast_in_dim3A = vector.shape_cast %reduce_sum3A_2 : vector<512xf32> to vector<512x1xf32>
    %get3A_3 = arith.constant 0 : index
    %get3A_4 = arith.constant 0 : index
    %get3A_5 = memref.load %arg1[%get3A_3, %get3A_4] : memref<1x1xf32, #tpu.memory_space<smem>>
    %mul3A = vector.broadcast %get3A_5 : f32 to vector<512x1xf32>
    %mul3A_6 = arith.mulf %broadcast_in_dim3A, %mul3A : vector<512x1xf32>
    %swap3A = arith.constant 0 : index
    %swap3A_7 = arith.constant 0 : index
    %swap3A_8 = vector.load %arg3[%swap3A, %swap3A_7] : memref<512x1xf32, #tpu.memory_space<vmem>>, vector<512x1xf32>
    tpu.vector_store %arg3[%swap3A, %swap3A_7], %mul3A_6 {strides = array<i32>} : memref<512x1xf32, #tpu.memory_space<vmem>>, vector<512x1xf32>,
    return
  }
  func.func @transform_0(%arg0: i32) -> (i32, i32) {
    %c0_i32 = arith.constant 0 : i32
    %c0_i32_0 = arith.constant 0 : i32
    %c0_i32_1 = arith.constant 0 : i32
    return %c0_i32, %c0_i32_0 : i32, i32
  }
  func.func @transform_1(%arg0: i32) -> (i32, i32) {
    %c0_i32 = arith.constant 0 : i32
    %c0_i32_0 = arith.constant 0 : i32
    return %arg0, %c0_i32 : i32, i32
  }
  func.func @transform_2(%arg0: i32) -> (i32, i32) {
    %c0_i32 = arith.constant 0 : i32
    %c0_i32_0 = arith.constant 0 : i32
    return %arg0, %c0_i32 : i32, i32
  }
}

</mosaic_0001>

<sc_bundles>
// kernel: _hybrid.4.cloned.1.call-start
scs
__scs_entry_jumppad:
0x0: {  	(pc) =	sbr.rel $0x88, $3  }
0x1: {  	(tag) =	ssettag $0x0;
	lr =	simm.s32 $0x1  }
0x2: {  	[smem:$0x3F9E] =	sst lr;
	_ =	strace $0xD0000000  }
0x3: {  	_ = 	snop  }
0x4: {  	_ = 	snop  }
0x5: {  	_ = 	snop  }
0x6: {  	_ = 	snop  }
0x7: {  	_ = 	snop  }
__scs_overlays_trampoline_lowered:
0x8: {  	[smem:$0x3FAD] =	sst s0  }
0x9: {  	[smem:$0x3FAE] =	sst s1  }
0xa: {  	[smem:$0x3FAF] =	sst s2  }
0xb: {  	[smem:$0x3FB0] =	sst s3  }
0xc: {  	[smem:$0x3FB1] =	sst s4  }
0xd: {  	[smem:$0x3FB2] =	sst s5  }
0xe: {  	[smem:$0x3FB3] =	sst s6  }
0xf: {  	[smem:$0x3FB4] =	sst s7  }
0x10: {  	[smem:$0x3FB5] =	sst s8  }
0x11: {  	[smem:$0x3FB6] =	sst s9;
	s0 =	simm.s32 @!p0 $0x0  }
0x12: {  	s1 =	sld [smem:$0x3F9C];
	s0 =	simm.s32 @p0 $0x1  }
0x13: {  	[smem:$0x3FB7] =	sst s0;
	s0 =	simm.s32 @!p1 $0x0  }
0x14: {  	s2 =	sld [smem:$0x3F9B];
	s0 =	simm.s32 @p1 $0x1  }
0x15: {  	[smem:$0x3FB8] =	sst s0;
	s0 =	simm.s32 @!p2 $0x0  }
0x16: {  	s3 =	sld [smem:$0x3FDB];
	s0 =	simm.s32 @p2 $0x1  }
0x17: {  	s4 =	simm.s32 $0x1BF5;
	[smem:$0x3FBA] =	sst s0  }
0x18: {  	s0 =	sld [smem:$0x3F9D];
	_ =	swait.ge [sflag:s4], $0x0  }
0x19: {  	s7 =	sld [smem:$0x3F9E]  }
0x1a: {  	s8 =	sadd.s32 $0xFFFFE003, lr  }
0x1b: {  	s9 =	sadd.s32 $0xFFFFFEF7, lr;
	s5 =	simm.s32 $0xFFFFFFFF;
	p2 =	slt.u32 s8, $0xFFFFF086  }
0x1c: {  	p1 =	slt.u32 s9, $0xF7A;
	s5 =	simm.s32 @!p2 $0x0  }
0x1d: {  	s5 =	simm.s32 @p1 $0x1;
	p0 =	seq.s32 s7, s2  }
0x1e: {  	s7 =	smul.u32 @!p0 $0xF7A, s2;
	p2 =	seq.s32 @!p0 s5, $0x0  }
0x1f: {  	s9 =	smul.u32 $0xF7A, s1;
	s8 =	simm.s32 @!p0 $0x1BF5;
	p2 =	por !p2, p0  }
0x20: {  	[sflag:s8] =	ssyncset.s32 @!p0 $0xFFFFF086;
	s6 =	sadd.s32 @!p0 s3, s7;
	s7 =	simm.s32 @!p0 $0x108  }
0x21: {  	s3 =	sadd.s32 s3, s9;
	s6 =	sadd.s32 @!p0 $0x88, s6;
	s7 =	simm.s32 @p2 $0x1082  }
0x22: {  	[simem:s7], [sflag:s8] =	dma.local @!p0 [hbm:s6], $0xF7A  }
0x23: {  	s9 =	sor.u32 $0xD0000000, s2;
	s6 =	simm.s32 $0x108;
	_ =	swait.ge @!p0 [sflag:s8], $0x0  }
0x24: {  	s3 =	sadd.s32 $0x88, s3;
	s6 =	simm.s32 @!p1 $0x1082;
	[sflag:s4] =	ssyncset.s32 $0xFFFFF086  }
0x25: {  	[simem:s6], [sflag:s4] =	dma.local [hbm:s3], $0xF7A  }
0x26: {  	[smem:$0x3F9E] =	sst s1;
	(tag) =	ssettag s2;
	_ =	strace s9  }
0x27: {  	s1 =	sld [smem:$0x3FAE]  }
0x28: {  	s2 =	sld [smem:$0x3FAF]  }
0x29: {  	s4 =	sld [smem:$0x3FB1]  }
0x2a: {  	p0 =	seq.s32 s5, $0x0;
	s5 =	sld [smem:$0x3FB2]  }
0x2b: {  	s6 =	sld [smem:$0x3FB3]  }
0x2c: {  	s7 =	sld [smem:$0x3FB4]  }
0x2d: {  	s3 =	simm.s32 $0x108;
	s8 =	sld [smem:$0x3FB5]  }
0x2e: {  	s3 =	simm.s32 @!p0 $0x1082;
	s9 =	sld [smem:$0x3FB6]  }
0x2f: {  	lr =	sadd.s32 s0, s3;
	s0 =	sld [smem:$0x3FAD]  }
0x30: {  	s3 =	sld [smem:$0x3FB0]  }
0x31: {  	[smem:$0x3FB9] =	sst s10  }
0x32: {  	s10 =	sld [smem:$0x3FB7];
	_ =	sdelay $0x3  }
0x33: {  	p0 =	seq.s32 s10, $0x1;
	s10 =	sld [smem:$0x3FB9];
	_ =	sdelay $0x3  }
0x34: {  	[smem:$0x3FB9] =	sst s10  }
0x35: {  	s10 =	sld [smem:$0x3FB8];
	_ =	sdelay $0x3  }
0x36: {  	p1 =	seq.s32 s10, $0x1;
	s10 =	sld [smem:$0x3FB9];
	_ =	sdelay $0x3  }
0x37: {  	[smem:$0x3FB9] =	sst s10  }
0x38: {  	s10 =	sld [smem:$0x3FBA]  }
0x39: {  	_ = 	snop;
	(pc) =	sbr.ind lr, $3  }
0x3a: {  	_ = 	snop  }
0x3b: {  	_ = 	snop  }
0x3c: {  	p2 =	seq.s32 s10, $0x1;
	s10 =	sld [smem:$0x3FB9]  }
0x3d: {  	_ =	shalt  }
0x3e: {  	_ =	shalt  }
0x3f: {  	_ =	shalt  }
0x40: {  	_ =	shalt  }
0x41: {  	_ =	shalt  }
0x42: {  	_ =	shalt  }
0x43: {  	_ =	shalt  }
0x44: {  	_ =	shalt  }
0x45: {  	_ =	shalt  }
0x46: {  	_ =	shalt  }
0x47: {  	_ =	shalt  }
0x48: {  	_ =	shalt  }
0x49: {  	_ =	shalt  }
0x4a: {  	_ =	shalt  }
0x4b: {  	_ =	shalt  }
0x4c: {  	_ =	shalt  }
0x4d: {  	_ =	shalt  }
0x4e: {  	_ =	shalt  }
0x4f: {  	_ =	shalt  }
0x50: {  	_ =	shalt  }
0x51: {  	_ =	shalt  }
0x52: {  	_ =	shalt  }
0x53: {  	_ =	shalt  }
0x54: {  	_ =	shalt  }
0x55: {  	_ =	shalt  }
0x56: {  	_ =	shalt  }
0x57: {  	_ =	shalt  }
0x58: {  	_ =	shalt  }
0x59: {  	_ =	shalt  }
0x5a: {  	_ =	shalt  }
0x5b: {  	_ =	shalt  }
0x5c: {  	_ =	shalt  }
0x5d: {  	_ =	shalt  }
0x5e: {  	_ =	shalt  }
0x5f: {  	_ =	shalt  }
0x60: {  	_ =	shalt  }
0x61: {  	_ =	shalt  }
0x62: {  	_ =	shalt  }
0x63: {  	_ =	shalt  }
0x64: {  	_ =	shalt  }
0x65: {  	_ =	shalt  }
0x66: {  	_ =	shalt  }
0x67: {  	_ =	shalt  }
0x68: {  	_ =	shalt  }
0x69: {  	_ =	shalt  }
0x6a: {  	_ =	shalt  }
0x6b: {  	_ =	shalt  }
0x6c: {  	_ =	shalt  }
0x6d: {  	_ =	shalt  }
0x6e: {  	_ =	shalt  }
0x6f: {  	_ =	shalt  }
0x70: {  	_ =	shalt  }
0x71: {  	_ =	shalt  }
0x72: {  	_ =	shalt  }
0x73: {  	_ =	shalt  }
0x74: {  	_ =	shalt  }
0x75: {  	_ =	shalt  }
0x76: {  	_ =	shalt  }
0x77: {  	_ =	shalt  }
0x78: {  	_ =	shalt  }
0x79: {  	_ =	shalt  }
0x7a: {  	_ =	shalt  }
0x7b: {  	_ =	shalt  }
0x7c: {  	_ =	shalt  }
0x7d: {  	_ =	shalt  }
0x7e: {  	_ =	shalt  }
0x7f: {  	_ =	shalt  }
0x80: {  	_ =	shalt  }
0x81: {  	_ =	shalt  }
0x82: {  	_ =	shalt  }
0x83: {  	_ =	shalt  }
0x84: {  	_ =	shalt  }
0x85: {  	_ =	shalt  }
0x86: {  	_ =	shalt  }
0x87: {  	_ =	shalt  }
.Lfunc_end0:
.L_simem_size_0:
called_computation_lowered:
.L_overlay_start_0:
0x88: {  	s2 =	sld [smem:$0x3FD9]  }
0x89: {  	s3 =	sld [smem:$0x3FFE];
	_ =	sdelay $0x1  }
0x8a: {  	s1 =	srdreg.scid  }
0x8b: {  	s0 =	sand.u32 $0x1, s1  }
0x8c: {  	s17 =	sshll.u32 s0, $0xA;
	s2 =	sadd.s32 s3, s2  }
0x8d: {  	s2 =	sadd.s32 s2, s17  }
0x8e: {  	[smem:$0x3FC5] =	sst s2  }
0x8f: {  	_ = 	snop  }
0x90: {  	s2 =	sld [smem:$0x3FC8]  }
0x91: {  	s18 =	sld [smem:$0x3FC7];
	(tm) =	ssettm $0x1  }
0x92: {  	s4 =	sld [smem:$0x3FFB];
	_ =	sdelay $0x3  }
0x93: {  	_ =	strace s4  }
0x94: {  	s4 =	sld [smem:$0x3FFC];
	_ =	sdelay $0x3  }
0x95: {  	_ =	strace s4  }
0x96: {  	s4 =	sld [smem:$0x3FFD];
	_ =	sdelay $0x3  }
0x97: {  	_ =	strace s4  }
0x98: {  	_ =	strace $0x8FFFFFFF  }
0x99: {  	s19 =	sld [smem:$0x3FDB];
	_ =	sdelay $0x1  }
0x9a: {  	s5 =	simm.s32 $_scs_section_size  }
0x9b: {  	s6 =	simm.s32 $_size__tile_overlayer_lowered;
	s7 =	simm.s32 $_tile_overlayer_lowered  }
0x9c: {  	s22 =	simm.s32 $0x1BFF;
	s21 =	sshll.u32 s7, $0x1;
	s4 =	sadd.s32 s5, s19  }
0x9d: {  	s8 =	simm.s32 $0x0;
	s20 =	sshll.u32 s6, $0x1;
	s6 =	sadd.s32 s21, s4  }
0x9e: {  	[timem:s8], [sflag:s22] =	dma.local [hbm:s6], s20  }
0x9f: {  	_ =	swait.ge [sflag:s22], s20  }
0xa0: {  	s5 =	ssub.s32 $0x0, s20;
	[sflag:s22] =	ssyncset.done $0x0  }
0xa1: {  	[sflag:s22] =	ssyncadd.s32 s5;
	_ =	sdelay $0x1  }
0xa2: {  	s23 =	simm.s32 $0x1B8B  }
0xa3: {  	_ =	swait.ge [sflag:s23], $0x1  }
0xa4: {  	[sflag:s23] =	ssyncset.done $0x0  }
0xa5: {  	s25 =	simm.s32 $0x1B8E;
	s24 =	sld [smem:$0x3FFE];
	[sflag:s23] =	ssyncadd.s32 $0xFFFFFFFF  }
0xa6: {  	s26 =	simm.s32 $execute0_lowered;
	[smem:$0x3FD2] =	sst s25  }
0xa7: {  	s6 =	sshll.u32 s26, $0x1;
	_ =	strace $0x80000046;
	[dreg:$0x1] =	wrdreg $0xFFFFFFFF  }
0xa8: {  	s28 =	simm.s32 $_size_execute0_lowered;
	s4 =	sadd.s32 s4, s6;
	[dreg:$0x0] =	wrdreg $0x0  }
0xa9: {  	s6 =	sshll.u32 s28, $0x1;
	[dreg:$0x2] =	wrdreg s4  }
0xaa: {  	[dreg:$0x3] =	wrdreg s6  }
0xab: {  	[dreg:$0x4] =	wrdreg $0xC0  }
0xac: {  	_ =	task [dreg:s8], $0x5FFFF  }
0xad: {  	[dreg:$0x1] =	wrdreg $0xFFFFFFFF  }
0xae: {  	[dreg:$0x0] =	wrdreg $0x60  }
0xaf: {  	[dreg:$0x2] =	wrdreg s2  }
0xb0: {  	[dreg:$0x3] =	wrdreg s18  }
0xb1: {  	[dreg:$0x4] =	wrdreg s24  }
0xb2: {  	[dreg:$0x5] =	wrdreg $0x9  }
0xb3: {  	_ =	task.clear_ibuf [dreg:s8], $0x6FFFF;
	_ =	strace $0x90000046  }
0xb4: {  	s29 =	simm.s32 $0x9;
	_ =	strace $0x80000048  }
0xb5: {  	_ =	swait.ge [sflag:s29], $0x1  }
0xb6: {  	[sflag:s29] =	ssyncadd.s32 $0xFFFFFFFF  }
0xb7: {  	_ =	strace $0x90000048  }
0xb8: {  	_ =	sfence  }
0xb9: {  	s30 =	sld [smem:$0x0];
	_ =	sdelay $0x2  }
0xba: {  	s31 =	sshll.u32 s1, $0xD;
	s1 =	sshrl.u32 s1, $0x2  }
0xbb: {  	s3 =	sand.u32 $0x4000, s31;
	s1 =	sadd.s32 s1, s30  }
0xbc: {  	s0 =	sor.u32 s3, s0;
	s1 =	sshll.u32 s1, $0x11  }
0xbd: {  	s0 =	sor.u32 s1, s0  }
0xbe: {  	s0 =	sadd.s32 $0x8F2B, s0  }
0xbf: {  	[sflag:s0] =	ssyncadd.remote.s32 $0x1  }
0xc0: {  	_ =	sfence.sel $0xFFFF  }
0xc1: {  	[dreg:$0x0] =	wrdreg $0xFFFFFFFF;
	(pc) =	sbr.abs _section_cstart, $3  }
0xc2: {  	[dreg:$0x1] =	wrdreg $0xFFFFFFFF  }
0xc3: {  	_ =	task.clear_ibuf [dreg:s8], $0x2FFFF;
	_ =	strace $0x9FFFFFFF  }
0xc4: {  	(tm) =	ssettm $0x7FFFFFFF  }
0xc5: {  	_ =	shalt  }
tec
execute0_lowered:
.L_overlay_start_1:
0x0: {  	(tag) =	ssettag $0x1  }
0x1: {  	s1 =	rddreg [dreg:$0x0]  }
0x2: {  	s4 =	rddreg [dreg:$0x1]  }
0x3: {  	s5 =	rddreg [dreg:$0x2]  }
0x4: {  	s0 =	rddreg [dreg:$0x3]  }
0x5: {  	s6 =	srdreg.scid;
	s3 =	simm.s32 $0x0;
	s2 =	stileid.u32  }
0x6: {  	s14 =	simm.s32 $0x3;
	s15 =	simm.s32 $0x80;
	s16 =	simm.s32 $0x8080  }
0x7: {  	s17 =	simm.s32 $0x1;
	s18 =	simm.s32 $0x2;
	s19 =	simm.s32 $0x10080  }
0x8: {  	s20 =	simm.s32 $0x0;
	s6 =	sand.u32 $0x1, s6;
	[smem:$0x7FF] =	sst s3  }
0x9: {  	s7 =	sshll.u32 s2, $0x7;
	s8 =	sshll.u32 s6, $0x6;
	s6 =	ssub.s32 $0x2, s6  }
0xa: {  	_ =	strace $0x80000047;
	s7 =	sor.u32 s8, s7;
	s31 =	sshrl.u32 s6, $0x1  }
0xb: {  	s8 =	sshrl.u32 s7, $0x3;
	s7 =	sshll.u32 s7, $0x9;
	s13 =	ssub.s32 s6, s31  }
0xc: {  	s12 =	sadd.s32 s8, s5;
	s11 =	sadd.s32 s7, s4;
	s13 =	smax.u32 s13, $0x1  }
0xd: {  	s4 =	sadd.s32 $0x100000, s11;
	s5 =	sadd.s32 $0x101000, s11;
	s6 =	sadd.s32 $0x102000, s11  }
0xe: {  	s7 =	sadd.s32 $0x103000, s11;
	s8 =	sadd.s32 $0x104000, s11;
	s9 =	sadd.s32 $0x105000, s11  }
0xf: {  	v0 =	vlaneseq.u32;
	s10 =	sadd.s32 $0x106000, s11;
	s11 =	sadd.s32 $0x107000, s11;
	s12 =	sadd.s32 $0x400, s12  }
.LBB2_1:
0x10: {  	[tilespmem:s3], [sflag:$0x3] =	stream.linear.gather [hbm4b:s1+s3], $0x80, $0x38;
	[tilespmem:$0x10100] =	vst v63  }
0x11: {  	_ =	swait.ge [sflag:s14], $0x80  }
0x12: {  	[sflag:s14] =	ssyncset.done $0x0  }
0x13: {  	[sflag:s14] =	ssyncadd.s32 $0xFFFFFF80  }
0x14: {  	v1 =	vld [tilespmem:$0x0];
	[tilespmem:s15], [sflag:$0x1] =	stream.linear.gather [hbm4b:s4+s3], $0x8000, $0x38  }
0x15: {  	_ = 	snop  }
0x16: {  	[tilespmem:s16], [sflag:$0x2] =	stream.linear.gather [hbm4b:s5+s3], $0x8000, $0x38;
	[tilespmem:$0x10100] =	vst v63  }
0x17: {  	_ =	swait.ge [sflag:s17], $0x8000  }
0x18: {  	[sflag:s17] =	ssyncset.done $0x0  }
0x19: {  	v3 =	vimm.f32 $0.0e+00;
	s21 =	simm.s32 $0xC0;
	v2 =	vimm.f32 $0.0e+00;
	s22 =	simm.s32 $0x0;
	[sflag:s17] =	ssyncadd.s32 $0xFFFF8000  }
.LBB2_2:
0x1a: {  	v4 =	vmov s21;
	_ =	sdelay $0x3  }
0x1b: {  	s24 =	simm.s32 $0x0  }
0x1c: {  	v12 =	vld.idx.msk [tilespmem:v4+s24+$0x0 ss:$0x1], $0xffff  }
0x1d: {  	v16 =	vld.idx.msk [tilespmem:v4+s24+$0x10 ss:$0x1], $0xffff  }
0x1e: {  	v10 =	vld.idx.msk [tilespmem:v4+s24+$0xFFFFFFC0 ss:$0x1], $0xffff  }
0x1f: {  	v11 =	vld.idx.msk [tilespmem:v4+s24+$0xFFFFFFD0 ss:$0x1], $0xffff  }
0x20: {  	v13 =	vld.idx.msk [tilespmem:v4+s24+$0xFFFFFFE0 ss:$0x1], $0xffff  }
0x21: {  	v15 =	vld.idx.msk [tilespmem:v4+s24+$0xFFFFFFF0 ss:$0x1], $0xffff  }
0x22: {  	v6 =	vld.idx.msk [tilespmem:v4+s24+$0x20 ss:$0x1], $0xffff  }
0x23: {  	s23 =	simm.s32 $0x400;
	v9 =	vld.idx.msk [tilespmem:v4+s24+$0x30 ss:$0x1], $0xffff  }
0x24: {  	v7 =	vld.idx.msk [tilespmem:v4+s23+$0x0 ss:$0x1], $0xffff  }
0x25: {  	v5 =	vld.idx.msk [tilespmem:v4+s23+$0x10 ss:$0x1], $0xffff  }
0x26: {  	v8 =	vld.idx.msk [tilespmem:v4+s23+$0xFFFFFFC0 ss:$0x1], $0xffff;
	v17 =	vadd.f32 v10, v3;
	v18 =	vadd.f32 v11, v3  }
0x27: {  	v10 =	vld.idx.msk [tilespmem:v4+s23+$0xFFFFFFD0 ss:$0x1], $0xffff;
	v14 =	vadd.f32 v13, v3;
	v15 =	vadd.f32 v15, v3  }
0x28: {  	s24 =	simm.s32 $0x2000;
	v11 =	vld.idx.msk [tilespmem:v4+s23+$0xFFFFFFE0 ss:$0x1], $0xffff;
	v13 =	vadd.f32 v12, v17;
	v12 =	vadd.f32 v16, v18  }
.LBB2_3:
0x29: {  	p0 =	sne.s32 s24, $0x1F000;
	v16 =	vld.idx.msk [tilespmem:v4+s23+$0xFFFFFFF0 ss:$0x1], $0xffff;
	v14 =	vadd.f32 v6, v14;
	v15 =	vadd.f32 v9, v15  }
0x2a: {  	v17 =	vmov v7;
	v6 =	vld.idx.msk [tilespmem:v4+s23+$0x20 ss:$0x1], $0xffff  }
0x2b: {  	v18 =	vmov v5;
	v9 =	vld.idx.msk [tilespmem:v4+s23+$0x30 ss:$0x1], $0xffff;
	s23 =	sshra.s32 s24, $0x2  }
.Ltmp0:
0x2c: {  	v7 =	vld.idx.msk [tilespmem:v4+s23+$0x0 ss:$0x1], $0xffff;
	(pc) =	sbr.rel @p0 .LBB2_3-.Ltmp0, $4  }
0x2d: {  	v5 =	vld.idx.msk [tilespmem:v4+s23+$0x10 ss:$0x1], $0xffff  }
0x2e: {  	v13 =	vadd.f32 v8, v13;
	v12 =	vadd.f32 v10, v12;
	v8 =	vld.idx.msk [tilespmem:v4+s23+$0xFFFFFFC0 ss:$0x1], $0xffff  }
0x2f: {  	v14 =	vadd.f32 v11, v14;
	v15 =	vadd.f32 v16, v15;
	v10 =	vld.idx.msk [tilespmem:v4+s23+$0xFFFFFFD0 ss:$0x1], $0xffff  }
0x30: {  	s24 =	sadd.s32 $0x1000, s24;
	v13 =	vadd.f32 v17, v13;
	v12 =	vadd.f32 v18, v12;
	v11 =	vld.idx.msk [tilespmem:v4+s23+$0xFFFFFFE0 ss:$0x1], $0xffff  }
0x31: {  	_ =	sdelay $0x3  }
0x32: {  	v16 =	vld.idx.msk [tilespmem:v4+s23+$0xFFFFFFF0 ss:$0x1], $0xffff  }
0x33: {  	v17 =	vld.idx.msk [tilespmem:v4+s23+$0x20 ss:$0x1], $0xffff  }
0x34: {  	v4 =	vld.idx.msk [tilespmem:v4+s23+$0x30 ss:$0x1], $0xffff  }
0x35: {  	v6 =	vadd.f32 v6, v14;
	v9 =	vadd.f32 v9, v15  }
0x36: {  	v8 =	vadd.f32 v8, v13;
	v10 =	vadd.f32 v10, v12  }
0x37: {  	v6 =	vadd.f32 v11, v6;
	v9 =	vadd.f32 v16, v9  }
0x38: {  	v7 =	vadd.f32 v7, v8;
	v5 =	vadd.f32 v5, v10  }
0x39: {  	v6 =	vadd.f32 v17, v6;
	v4 =	vadd.f32 v4, v9;
	_ =	sdelay $0x1  }
0x3a: {  	v5 =	vadd.f32 v5, v7;
	v4 =	vadd.f32 v4, v6;
	_ =	sdelay $0x1  }
0x3b: {  	v4 =	vadd.f32 v4, v5;
	_ =	sdelay $0x1  }
0x3c: {  	(xrf2) =	vadd.scan.msk.f32 $0xffff, v4;
	_ =	sdelay $0x6  }
0x3d: {  	v5 =	vmov s22;
	s22 =	sadd.s32 $0x1, s22  }
0x3e: {  	p0 =	sne.s32 s22, $0x8  }
.Ltmp1:
0x3f: {  	_ = 	snop;
	(pc) =	sbr.rel @p0 .LBB2_2-.Ltmp1, $4  }
0x40: {  	v4, _, _ =	vpop (xrf2)  }
0x41: {  	v4 =	vbroadcast v4, $0xF  }
0x42: {  	vm0 =	veq.s32 v5, v0  }
0x43: {  	s21 =	sadd.s32 $0x80, s21;
	v2 =	vsel vm0, v4, v2  }
0x44: {  	s21 =	simm.s32 $0x0  }
0x45: {  	[tilespmem:s15], [sflag:$0x1] =	stream.linear.gather [hbm4b:s6+s21], $0x8000, $0x38;
	[tilespmem:$0x10100] =	vst v63  }
0x46: {  	_ =	swait.ge [sflag:s18], $0x8000  }
0x47: {  	[sflag:s18] =	ssyncset.done $0x0  }
0x48: {  	s22 =	simm.s32 $0x80C0;
	[sflag:s18] =	ssyncadd.s32 $0xFFFF8000  }
.LBB2_6:
0x49: {  	v3 =	vmov s22;
	_ =	sdelay $0x3  }
0x4a: {  	s24 =	simm.s32 $0x0  }
0x4b: {  	v11 =	vld.idx.msk [tilespmem:v3+s24+$0x0 ss:$0x1], $0xffff  }
0x4c: {  	v15 =	vld.idx.msk [tilespmem:v3+s24+$0x10 ss:$0x1], $0xffff  }
0x4d: {  	v9 =	vld.idx.msk [tilespmem:v3+s24+$0xFFFFFFC0 ss:$0x1], $0xffff  }
0x4e: {  	v10 =	vld.idx.msk [tilespmem:v3+s24+$0xFFFFFFD0 ss:$0x1], $0xffff  }
0x4f: {  	v12 =	vld.idx.msk [tilespmem:v3+s24+$0xFFFFFFE0 ss:$0x1], $0xffff  }
0x50: {  	v14 =	vld.idx.msk [tilespmem:v3+s24+$0xFFFFFFF0 ss:$0x1], $0xffff  }
0x51: {  	v5 =	vld.idx.msk [tilespmem:v3+s24+$0x20 ss:$0x1], $0xffff  }
0x52: {  	s23 =	simm.s32 $0x400;
	v8 =	vld.idx.msk [tilespmem:v3+s24+$0x30 ss:$0x1], $0xffff  }
0x53: {  	v6 =	vld.idx.msk [tilespmem:v3+s23+$0x0 ss:$0x1], $0xffff  }
0x54: {  	v16 =	vimm.f32 $0.0e+00;
	v4 =	vld.idx.msk [tilespmem:v3+s23+$0x10 ss:$0x1], $0xffff  }
0x55: {  	v7 =	vld.idx.msk [tilespmem:v3+s23+$0xFFFFFFC0 ss:$0x1], $0xffff;
	v17 =	vadd.f32 v9, v16;
	v18 =	vadd.f32 v10, v16  }
0x56: {  	v9 =	vld.idx.msk [tilespmem:v3+s23+$0xFFFFFFD0 ss:$0x1], $0xffff;
	v13 =	vadd.f32 v12, v16;
	v14 =	vadd.f32 v14, v16  }
0x57: {  	s24 =	simm.s32 $0x2000;
	v10 =	vld.idx.msk [tilespmem:v3+s23+$0xFFFFFFE0 ss:$0x1], $0xffff;
	v12 =	vadd.f32 v11, v17;
	v11 =	vadd.f32 v15, v18  }
.LBB2_7:
0x58: {  	p0 =	sne.s32 s24, $0x1F000;
	v15 =	vld.idx.msk [tilespmem:v3+s23+$0xFFFFFFF0 ss:$0x1], $0xffff;
	v13 =	vadd.f32 v5, v13;
	v14 =	vadd.f32 v8, v14  }
0x59: {  	v16 =	vmov v6;
	v5 =	vld.idx.msk [tilespmem:v3+s23+$0x20 ss:$0x1], $0xffff  }
0x5a: {  	v17 =	vmov v4;
	v8 =	vld.idx.msk [tilespmem:v3+s23+$0x30 ss:$0x1], $0xffff;
	s23 =	sshra.s32 s24, $0x2  }
.Ltmp2:
0x5b: {  	v6 =	vld.idx.msk [tilespmem:v3+s23+$0x0 ss:$0x1], $0xffff;
	(pc) =	sbr.rel @p0 .LBB2_7-.Ltmp2, $4  }
0x5c: {  	v4 =	vld.idx.msk [tilespmem:v3+s23+$0x10 ss:$0x1], $0xffff  }
0x5d: {  	v12 =	vadd.f32 v7, v12;
	v11 =	vadd.f32 v9, v11;
	v7 =	vld.idx.msk [tilespmem:v3+s23+$0xFFFFFFC0 ss:$0x1], $0xffff  }
0x5e: {  	v13 =	vadd.f32 v10, v13;
	v14 =	vadd.f32 v15, v14;
	v9 =	vld.idx.msk [tilespmem:v3+s23+$0xFFFFFFD0 ss:$0x1], $0xffff  }
0x5f: {  	s24 =	sadd.s32 $0x1000, s24;
	v12 =	vadd.f32 v16, v12;
	v11 =	vadd.f32 v17, v11;
	v10 =	vld.idx.msk [tilespmem:v3+s23+$0xFFFFFFE0 ss:$0x1], $0xffff  }
0x60: {  	_ =	sdelay $0x3  }
0x61: {  	v15 =	vld.idx.msk [tilespmem:v3+s23+$0xFFFFFFF0 ss:$0x1], $0xffff  }
0x62: {  	v16 =	vld.idx.msk [tilespmem:v3+s23+$0x20 ss:$0x1], $0xffff  }
0x63: {  	v3 =	vld.idx.msk [tilespmem:v3+s23+$0x30 ss:$0x1], $0xffff  }
0x64: {  	v5 =	vadd.f32 v5, v13;
	v8 =	vadd.f32 v8, v14  }
0x65: {  	v7 =	vadd.f32 v7, v12;
	v9 =	vadd.f32 v9, v11  }
0x66: {  	v5 =	vadd.f32 v10, v5;
	v8 =	vadd.f32 v15, v8  }
0x67: {  	v6 =	vadd.f32 v6, v7;
	v4 =	vadd.f32 v4, v9  }
0x68: {  	v5 =	vadd.f32 v16, v5;
	v3 =	vadd.f32 v3, v8;
	_ =	sdelay $0x1  }
0x69: {  	v4 =	vadd.f32 v4, v6;
	v3 =	vadd.f32 v3, v5;
	_ =	sdelay $0x1  }
0x6a: {  	v3 =	vadd.f32 v3, v4;
	_ =	sdelay $0x1  }
0x6b: {  	(xrf2) =	vadd.scan.msk.f32 $0xffff, v3;
	_ =	sdelay $0x6  }
0x6c: {  	s31 =	sor.u32 $0x8, s21;
	s21 =	sadd.s32 $0x1, s21  }
0x6d: {  	p0 =	sne.s32 s21, $0x8  }
.Ltmp3:
0x6e: {  	_ = 	snop;
	(pc) =	sbr.rel @p0 .LBB2_6-.Ltmp3, $4  }
0x6f: {  	v3, _, _ =	vpop (xrf2)  }
0x70: {  	v63 =	vmov s31;
	v3 =	vbroadcast v3, $0xF  }
0x71: {  	vm0 =	veq.s32 v63, v0  }
0x72: {  	s22 =	sadd.s32 $0x80, s22;
	v2 =	vsel vm0, v3, v2  }
0x73: {  	v1 =	vbroadcast v1, $0x0;
	_ =	sdelay $0x1  }
0x74: {  	v2 =	vmul.f32 v2, v1;
	_ =	sdelay $0x1  }
0x75: {  	s21 =	simm.s32 $0x0;
	[tilespmem:$0x10080] =	vst v2  }
0x76: {  	[tilespmem:s16], [sflag:$0x2] =	stream.linear.gather [hbm4b:s7+s21], $0x8000, $0x38;
	[tilespmem:$0x10100] =	vst v63  }
0x77: {  	_ =	swait.ge [sflag:s17], $0x8000  }
0x78: {  	[sflag:s17] =	ssyncset.done $0x0  }
0x79: {  	v3 =	vimm.f32 $0.0e+00;
	s22 =	simm.s32 $0xC0;
	v2 =	vimm.f32 $0.0e+00;
	[sflag:s17] =	ssyncadd.s32 $0xFFFF8000  }
.LBB2_10:
0x7a: {  	v4 =	vmov s22;
	_ =	sdelay $0x3  }
0x7b: {  	s24 =	simm.s32 $0x0  }
0x7c: {  	v12 =	vld.idx.msk [tilespmem:v4+s24+$0x0 ss:$0x1], $0xffff  }
0x7d: {  	v16 =	vld.idx.msk [tilespmem:v4+s24+$0x10 ss:$0x1], $0xffff  }
0x7e: {  	v10 =	vld.idx.msk [tilespmem:v4+s24+$0xFFFFFFC0 ss:$0x1], $0xffff  }
0x7f: {  	v11 =	vld.idx.msk [tilespmem:v4+s24+$0xFFFFFFD0 ss:$0x1], $0xffff  }
0x80: {  	v13 =	vld.idx.msk [tilespmem:v4+s24+$0xFFFFFFE0 ss:$0x1], $0xffff  }
0x81: {  	v15 =	vld.idx.msk [tilespmem:v4+s24+$0xFFFFFFF0 ss:$0x1], $0xffff  }
0x82: {  	v6 =	vld.idx.msk [tilespmem:v4+s24+$0x20 ss:$0x1], $0xffff  }
0x83: {  	s23 =	simm.s32 $0x400;
	v9 =	vld.idx.msk [tilespmem:v4+s24+$0x30 ss:$0x1], $0xffff  }
0x84: {  	v7 =	vld.idx.msk [tilespmem:v4+s23+$0x0 ss:$0x1], $0xffff  }
0x85: {  	v5 =	vld.idx.msk [tilespmem:v4+s23+$0x10 ss:$0x1], $0xffff  }
0x86: {  	v8 =	vld.idx.msk [tilespmem:v4+s23+$0xFFFFFFC0 ss:$0x1], $0xffff;
	v17 =	vadd.f32 v10, v3;
	v18 =	vadd.f32 v11, v3  }
0x87: {  	v10 =	vld.idx.msk [tilespmem:v4+s23+$0xFFFFFFD0 ss:$0x1], $0xffff;
	v14 =	vadd.f32 v13, v3;
	v15 =	vadd.f32 v15, v3  }
0x88: {  	s24 =	simm.s32 $0x2000;
	v11 =	vld.idx.msk [tilespmem:v4+s23+$0xFFFFFFE0 ss:$0x1], $0xffff;
	v13 =	vadd.f32 v12, v17;
	v12 =	vadd.f32 v16, v18  }
.LBB2_11:
0x89: {  	p0 =	sne.s32 s24, $0x1F000;
	v16 =	vld.idx.msk [tilespmem:v4+s23+$0xFFFFFFF0 ss:$0x1], $0xffff;
	v14 =	vadd.f32 v6, v14;
	v15 =	vadd.f32 v9, v15  }
0x8a: {  	v17 =	vmov v7;
	v6 =	vld.idx.msk [tilespmem:v4+s23+$0x20 ss:$0x1], $0xffff  }
0x8b: {  	v18 =	vmov v5;
	v9 =	vld.idx.msk [tilespmem:v4+s23+$0x30 ss:$0x1], $0xffff;
	s23 =	sshra.s32 s24, $0x2  }
.Ltmp4:
0x8c: {  	v7 =	vld.idx.msk [tilespmem:v4+s23+$0x0 ss:$0x1], $0xffff;
	(pc) =	sbr.rel @p0 .LBB2_11-.Ltmp4, $4  }
0x8d: {  	v5 =	vld.idx.msk [tilespmem:v4+s23+$0x10 ss:$0x1], $0xffff  }
0x8e: {  	v13 =	vadd.f32 v8, v13;
	v12 =	vadd.f32 v10, v12;
	v8 =	vld.idx.msk [tilespmem:v4+s23+$0xFFFFFFC0 ss:$0x1], $0xffff  }
0x8f: {  	v14 =	vadd.f32 v11, v14;
	v15 =	vadd.f32 v16, v15;
	v10 =	vld.idx.msk [tilespmem:v4+s23+$0xFFFFFFD0 ss:$0x1], $0xffff  }
0x90: {  	s24 =	sadd.s32 $0x1000, s24;
	v13 =	vadd.f32 v17, v13;
	v12 =	vadd.f32 v18, v12;
	v11 =	vld.idx.msk [tilespmem:v4+s23+$0xFFFFFFE0 ss:$0x1], $0xffff  }
0x91: {  	_ =	sdelay $0x3  }
0x92: {  	v16 =	vld.idx.msk [tilespmem:v4+s23+$0xFFFFFFF0 ss:$0x1], $0xffff  }
0x93: {  	v17 =	vld.idx.msk [tilespmem:v4+s23+$0x20 ss:$0x1], $0xffff  }
0x94: {  	v4 =	vld.idx.msk [tilespmem:v4+s23+$0x30 ss:$0x1], $0xffff  }
0x95: {  	v6 =	vadd.f32 v6, v14;
	v9 =	vadd.f32 v9, v15  }
0x96: {  	v8 =	vadd.f32 v8, v13;
	v10 =	vadd.f32 v10, v12  }
0x97: {  	v6 =	vadd.f32 v11, v6;
	v9 =	vadd.f32 v16, v9  }
0x98: {  	v7 =	vadd.f32 v7, v8;
	v5 =	vadd.f32 v5, v10  }
0x99: {  	v6 =	vadd.f32 v17, v6;
	v4 =	vadd.f32 v4, v9;
	_ =	sdelay $0x1  }
0x9a: {  	v5 =	vadd.f32 v5, v7;
	v4 =	vadd.f32 v4, v6;
	_ =	sdelay $0x1  }
0x9b: {  	v4 =	vadd.f32 v4, v5;
	_ =	sdelay $0x1  }
0x9c: {  	(xrf2) =	vadd.scan.msk.f32 $0xffff, v4;
	_ =	sdelay $0x6  }
0x9d: {  	v5 =	vmov s21;
	s21 =	sadd.s32 $0x1, s21  }
0x9e: {  	p0 =	sne.s32 s21, $0x8  }
.Ltmp5:
0x9f: {  	_ = 	snop;
	(pc) =	sbr.rel @p0 .LBB2_10-.Ltmp5, $4  }
0xa0: {  	v4, _, _ =	vpop (xrf2)  }
0xa1: {  	v4 =	vbroadcast v4, $0xF  }
0xa2: {  	vm0 =	veq.s32 v5, v0  }
0xa3: {  	s22 =	sadd.s32 $0x80, s22;
	v2 =	vsel vm0, v4, v2  }
0xa4: {  	s21 =	simm.s32 $0x0  }
0xa5: {  	[tilespmem:s15], [sflag:$0x1] =	stream.linear.gather [hbm4b:s8+s21], $0x8000, $0x38;
	[tilespmem:$0x10100] =	vst v63  }
0xa6: {  	_ =	swait.ge [sflag:s18], $0x8000  }
0xa7: {  	[sflag:s18] =	ssyncset.done $0x0  }
0xa8: {  	s22 =	simm.s32 $0x80C0;
	[sflag:s18] =	ssyncadd.s32 $0xFFFF8000  }
.LBB2_14:
0xa9: {  	v3 =	vmov s22;
	_ =	sdelay $0x3  }
0xaa: {  	s24 =	simm.s32 $0x0  }
0xab: {  	v11 =	vld.idx.msk [tilespmem:v3+s24+$0x0 ss:$0x1], $0xffff  }
0xac: {  	v15 =	vld.idx.msk [tilespmem:v3+s24+$0x10 ss:$0x1], $0xffff  }
0xad: {  	v9 =	vld.idx.msk [tilespmem:v3+s24+$0xFFFFFFC0 ss:$0x1], $0xffff  }
0xae: {  	v10 =	vld.idx.msk [tilespmem:v3+s24+$0xFFFFFFD0 ss:$0x1], $0xffff  }
0xaf: {  	v12 =	vld.idx.msk [tilespmem:v3+s24+$0xFFFFFFE0 ss:$0x1], $0xffff  }
0xb0: {  	v14 =	vld.idx.msk [tilespmem:v3+s24+$0xFFFFFFF0 ss:$0x1], $0xffff  }
0xb1: {  	v5 =	vld.idx.msk [tilespmem:v3+s24+$0x20 ss:$0x1], $0xffff  }
0xb2: {  	s23 =	simm.s32 $0x400;
	v8 =	vld.idx.msk [tilespmem:v3+s24+$0x30 ss:$0x1], $0xffff  }
0xb3: {  	v6 =	vld.idx.msk [tilespmem:v3+s23+$0x0 ss:$0x1], $0xffff  }
0xb4: {  	v16 =	vimm.f32 $0.0e+00;
	v4 =	vld.idx.msk [tilespmem:v3+s23+$0x10 ss:$0x1], $0xffff  }
0xb5: {  	v7 =	vld.idx.msk [tilespmem:v3+s23+$0xFFFFFFC0 ss:$0x1], $0xffff;
	v17 =	vadd.f32 v9, v16;
	v18 =	vadd.f32 v10, v16  }
0xb6: {  	v9 =	vld.idx.msk [tilespmem:v3+s23+$0xFFFFFFD0 ss:$0x1], $0xffff;
	v13 =	vadd.f32 v12, v16;
	v14 =	vadd.f32 v14, v16  }
0xb7: {  	s24 =	simm.s32 $0x2000;
	v10 =	vld.idx.msk [tilespmem:v3+s23+$0xFFFFFFE0 ss:$0x1], $0xffff;
	v12 =	vadd.f32 v11, v17;
	v11 =	vadd.f32 v15, v18  }
.LBB2_15:
0xb8: {  	p0 =	sne.s32 s24, $0x1F000;
	v15 =	vld.idx.msk [tilespmem:v3+s23+$0xFFFFFFF0 ss:$0x1], $0xffff;
	v13 =	vadd.f32 v5, v13;
	v14 =	vadd.f32 v8, v14  }
0xb9: {  	v16 =	vmov v6;
	v5 =	vld.idx.msk [tilespmem:v3+s23+$0x20 ss:$0x1], $0xffff  }
0xba: {  	v17 =	vmov v4;
	v8 =	vld.idx.msk [tilespmem:v3+s23+$0x30 ss:$0x1], $0xffff;
	s23 =	sshra.s32 s24, $0x2  }
.Ltmp6:
0xbb: {  	v6 =	vld.idx.msk [tilespmem:v3+s23+$0x0 ss:$0x1], $0xffff;
	(pc) =	sbr.rel @p0 .LBB2_15-.Ltmp6, $4  }
0xbc: {  	v4 =	vld.idx.msk [tilespmem:v3+s23+$0x10 ss:$0x1], $0xffff  }
0xbd: {  	v12 =	vadd.f32 v7, v12;
	v11 =	vadd.f32 v9, v11;
	v7 =	vld.idx.msk [tilespmem:v3+s23+$0xFFFFFFC0 ss:$0x1], $0xffff  }
0xbe: {  	v13 =	vadd.f32 v10, v13;
	v14 =	vadd.f32 v15, v14;
	v9 =	vld.idx.msk [tilespmem:v3+s23+$0xFFFFFFD0 ss:$0x1], $0xffff  }
0xbf: {  	s24 =	sadd.s32 $0x1000, s24;
	v12 =	vadd.f32 v16, v12;
	v11 =	vadd.f32 v17, v11;
	v10 =	vld.idx.msk [tilespmem:v3+s23+$0xFFFFFFE0 ss:$0x1], $0xffff  }
0xc0: {  	_ =	sdelay $0x3  }
0xc1: {  	v15 =	vld.idx.msk [tilespmem:v3+s23+$0xFFFFFFF0 ss:$0x1], $0xffff  }
0xc2: {  	v16 =	vld.idx.msk [tilespmem:v3+s23+$0x20 ss:$0x1], $0xffff  }
0xc3: {  	v3 =	vld.idx.msk [tilespmem:v3+s23+$0x30 ss:$0x1], $0xffff  }
0xc4: {  	v5 =	vadd.f32 v5, v13;
	v8 =	vadd.f32 v8, v14  }
0xc5: {  	v7 =	vadd.f32 v7, v12;
	v9 =	vadd.f32 v9, v11  }
0xc6: {  	v5 =	vadd.f32 v10, v5;
	v8 =	vadd.f32 v15, v8  }
0xc7: {  	v6 =	vadd.f32 v6, v7;
	v4 =	vadd.f32 v4, v9  }
0xc8: {  	v5 =	vadd.f32 v16, v5;
	v3 =	vadd.f32 v3, v8;
	_ =	sdelay $0x1  }
0xc9: {  	v4 =	vadd.f32 v4, v6;
	v3 =	vadd.f32 v3, v5;
	_ =	sdelay $0x1  }
0xca: {  	v3 =	vadd.f32 v3, v4;
	_ =	sdelay $0x1  }
0xcb: {  	(xrf2) =	vadd.scan.msk.f32 $0xffff, v3;
	_ =	sdelay $0x6  }
0xcc: {  	s31 =	sor.u32 $0x8, s21;
	s21 =	sadd.s32 $0x1, s21  }
0xcd: {  	p0 =	sne.s32 s21, $0x8  }
.Ltmp7:
0xce: {  	_ = 	snop;
	(pc) =	sbr.rel @p0 .LBB2_14-.Ltmp7, $4  }
0xcf: {  	v3, _, _ =	vpop (xrf2)  }
0xd0: {  	v63 =	vmov s31;
	v3 =	vbroadcast v3, $0xF  }
0xd1: {  	vm0 =	veq.s32 v63, v0  }
0xd2: {  	s22 =	sadd.s32 $0x80, s22;
	v2 =	vsel vm0, v3, v2  }
0xd3: {  	v2 =	vmul.f32 v2, v1;
	_ =	sdelay $0x1  }
0xd4: {  	s21 =	simm.s32 $0x0;
	[tilespmem:$0x10090] =	vst v2  }
0xd5: {  	[tilespmem:s16], [sflag:$0x2] =	stream.linear.gather [hbm4b:s9+s21], $0x8000, $0x38;
	[tilespmem:$0x10100] =	vst v63  }
0xd6: {  	_ =	swait.ge [sflag:s17], $0x8000  }
0xd7: {  	[sflag:s17] =	ssyncset.done $0x0  }
0xd8: {  	v3 =	vimm.f32 $0.0e+00;
	s22 =	simm.s32 $0xC0;
	v2 =	vimm.f32 $0.0e+00;
	[sflag:s17] =	ssyncadd.s32 $0xFFFF8000  }
.LBB2_18:
0xd9: {  	v4 =	vmov s22;
	_ =	sdelay $0x3  }
0xda: {  	s24 =	simm.s32 $0x0  }
0xdb: {  	v12 =	vld.idx.msk [tilespmem:v4+s24+$0x0 ss:$0x1], $0xffff  }
0xdc: {  	v16 =	vld.idx.msk [tilespmem:v4+s24+$0x10 ss:$0x1], $0xffff  }
0xdd: {  	v10 =	vld.idx.msk [tilespmem:v4+s24+$0xFFFFFFC0 ss:$0x1], $0xffff  }
0xde: {  	v11 =	vld.idx.msk [tilespmem:v4+s24+$0xFFFFFFD0 ss:$0x1], $0xffff  }
0xdf: {  	v13 =	vld.idx.msk [tilespmem:v4+s24+$0xFFFFFFE0 ss:$0x1], $0xffff  }
0xe0: {  	v15 =	vld.idx.msk [tilespmem:v4+s24+$0xFFFFFFF0 ss:$0x1], $0xffff  }
0xe1: {  	v6 =	vld.idx.msk [tilespmem:v4+s24+$0x20 ss:$0x1], $0xffff  }
0xe2: {  	s23 =	simm.s32 $0x400;
	v9 =	vld.idx.msk [tilespmem:v4+s24+$0x30 ss:$0x1], $0xffff  }
0xe3: {  	v7 =	vld.idx.msk [tilespmem:v4+s23+$0x0 ss:$0x1], $0xffff  }
0xe4: {  	v5 =	vld.idx.msk [tilespmem:v4+s23+$0x10 ss:$0x1], $0xffff  }
0xe5: {  	v8 =	vld.idx.msk [tilespmem:v4+s23+$0xFFFFFFC0 ss:$0x1], $0xffff;
	v17 =	vadd.f32 v10, v3;
	v18 =	vadd.f32 v11, v3  }
0xe6: {  	v10 =	vld.idx.msk [tilespmem:v4+s23+$0xFFFFFFD0 ss:$0x1], $0xffff;
	v14 =	vadd.f32 v13, v3;
	v15 =	vadd.f32 v15, v3  }
0xe7: {  	s24 =	simm.s32 $0x2000;
	v11 =	vld.idx.msk [tilespmem:v4+s23+$0xFFFFFFE0 ss:$0x1], $0xffff;
	v13 =	vadd.f32 v12, v17;
	v12 =	vadd.f32 v16, v18  }
.LBB2_19:
0xe8: {  	p0 =	sne.s32 s24, $0x1F000;
	v16 =	vld.idx.msk [tilespmem:v4+s23+$0xFFFFFFF0 ss:$0x1], $0xffff;
	v14 =	vadd.f32 v6, v14;
	v15 =	vadd.f32 v9, v15  }
0xe9: {  	v17 =	vmov v7;
	v6 =	vld.idx.msk [tilespmem:v4+s23+$0x20 ss:$0x1], $0xffff  }
0xea: {  	v18 =	vmov v5;
	v9 =	vld.idx.msk [tilespmem:v4+s23+$0x30 ss:$0x1], $0xffff;
	s23 =	sshra.s32 s24, $0x2  }
.Ltmp8:
0xeb: {  	v7 =	vld.idx.msk [tilespmem:v4+s23+$0x0 ss:$0x1], $0xffff;
	(pc) =	sbr.rel @p0 .LBB2_19-.Ltmp8, $4  }
0xec: {  	v5 =	vld.idx.msk [tilespmem:v4+s23+$0x10 ss:$0x1], $0xffff  }
0xed: {  	v13 =	vadd.f32 v8, v13;
	v12 =	vadd.f32 v10, v12;
	v8 =	vld.idx.msk [tilespmem:v4+s23+$0xFFFFFFC0 ss:$0x1], $0xffff  }
0xee: {  	v14 =	vadd.f32 v11, v14;
	v15 =	vadd.f32 v16, v15;
	v10 =	vld.idx.msk [tilespmem:v4+s23+$0xFFFFFFD0 ss:$0x1], $0xffff  }
0xef: {  	s24 =	sadd.s32 $0x1000, s24;
	v13 =	vadd.f32 v17, v13;
	v12 =	vadd.f32 v18, v12;
	v11 =	vld.idx.msk [tilespmem:v4+s23+$0xFFFFFFE0 ss:$0x1], $0xffff  }
0xf0: {  	_ =	sdelay $0x3  }
0xf1: {  	v16 =	vld.idx.msk [tilespmem:v4+s23+$0xFFFFFFF0 ss:$0x1], $0xffff  }
0xf2: {  	v17 =	vld.idx.msk [tilespmem:v4+s23+$0x20 ss:$0x1], $0xffff  }
0xf3: {  	v4 =	vld.idx.msk [tilespmem:v4+s23+$0x30 ss:$0x1], $0xffff  }
0xf4: {  	v6 =	vadd.f32 v6, v14;
	v9 =	vadd.f32 v9, v15  }
0xf5: {  	v8 =	vadd.f32 v8, v13;
	v10 =	vadd.f32 v10, v12  }
0xf6: {  	v6 =	vadd.f32 v11, v6;
	v9 =	vadd.f32 v16, v9  }
0xf7: {  	v7 =	vadd.f32 v7, v8;
	v5 =	vadd.f32 v5, v10  }
0xf8: {  	v6 =	vadd.f32 v17, v6;
	v4 =	vadd.f32 v4, v9;
	_ =	sdelay $0x1  }
0xf9: {  	v5 =	vadd.f32 v5, v7;
	v4 =	vadd.f32 v4, v6;
	_ =	sdelay $0x1  }
0xfa: {  	v4 =	vadd.f32 v4, v5;
	_ =	sdelay $0x1  }
0xfb: {  	(xrf2) =	vadd.scan.msk.f32 $0xffff, v4;
	_ =	sdelay $0x6  }
0xfc: {  	v5 =	vmov s21;
	s21 =	sadd.s32 $0x1, s21  }
0xfd: {  	p0 =	sne.s32 s21, $0x8  }
.Ltmp9:
0xfe: {  	_ = 	snop;
	(pc) =	sbr.rel @p0 .LBB2_18-.Ltmp9, $4  }
0xff: {  	v4, _, _ =	vpop (xrf2)  }
0x100: {  	v4 =	vbroadcast v4, $0xF  }
0x101: {  	vm0 =	veq.s32 v5, v0  }
0x102: {  	s22 =	sadd.s32 $0x80, s22;
	v2 =	vsel vm0, v4, v2  }
0x103: {  	s21 =	simm.s32 $0x0  }
0x104: {  	[tilespmem:s15], [sflag:$0x1] =	stream.linear.gather [hbm4b:s10+s21], $0x8000, $0x38;
	[tilespmem:$0x10100] =	vst v63  }
0x105: {  	_ =	swait.ge [sflag:s18], $0x8000  }
0x106: {  	[sflag:s18] =	ssyncset.done $0x0  }
0x107: {  	s22 =	simm.s32 $0x80C0;
	[sflag:s18] =	ssyncadd.s32 $0xFFFF8000  }
.LBB2_22:
0x108: {  	v3 =	vmov s22;
	_ =	sdelay $0x3  }
0x109: {  	s24 =	simm.s32 $0x0  }
0x10a: {  	v11 =	vld.idx.msk [tilespmem:v3+s24+$0x0 ss:$0x1], $0xffff  }
0x10b: {  	v15 =	vld.idx.msk [tilespmem:v3+s24+$0x10 ss:$0x1], $0xffff  }
0x10c: {  	v9 =	vld.idx.msk [tilespmem:v3+s24+$0xFFFFFFC0 ss:$0x1], $0xffff  }
0x10d: {  	v10 =	vld.idx.msk [tilespmem:v3+s24+$0xFFFFFFD0 ss:$0x1], $0xffff  }
0x10e: {  	v12 =	vld.idx.msk [tilespmem:v3+s24+$0xFFFFFFE0 ss:$0x1], $0xffff  }
0x10f: {  	v14 =	vld.idx.msk [tilespmem:v3+s24+$0xFFFFFFF0 ss:$0x1], $0xffff  }
0x110: {  	v5 =	vld.idx.msk [tilespmem:v3+s24+$0x20 ss:$0x1], $0xffff  }
0x111: {  	s23 =	simm.s32 $0x400;
	v8 =	vld.idx.msk [tilespmem:v3+s24+$0x30 ss:$0x1], $0xffff  }
0x112: {  	v6 =	vld.idx.msk [tilespmem:v3+s23+$0x0 ss:$0x1], $0xffff  }
0x113: {  	v16 =	vimm.f32 $0.0e+00;
	v4 =	vld.idx.msk [tilespmem:v3+s23+$0x10 ss:$0x1], $0xffff  }
0x114: {  	v7 =	vld.idx.msk [tilespmem:v3+s23+$0xFFFFFFC0 ss:$0x1], $0xffff;
	v17 =	vadd.f32 v9, v16;
	v18 =	vadd.f32 v10, v16  }
0x115: {  	v9 =	vld.idx.msk [tilespmem:v3+s23+$0xFFFFFFD0 ss:$0x1], $0xffff;
	v13 =	vadd.f32 v12, v16;
	v14 =	vadd.f32 v14, v16  }
0x116: {  	s24 =	simm.s32 $0x2000;
	v10 =	vld.idx.msk [tilespmem:v3+s23+$0xFFFFFFE0 ss:$0x1], $0xffff;
	v12 =	vadd.f32 v11, v17;
	v11 =	vadd.f32 v15, v18  }
.LBB2_23:
0x117: {  	p0 =	sne.s32 s24, $0x1F000;
	v15 =	vld.idx.msk [tilespmem:v3+s23+$0xFFFFFFF0 ss:$0x1], $0xffff;
	v13 =	vadd.f32 v5, v13;
	v14 =	vadd.f32 v8, v14  }
0x118: {  	v16 =	vmov v6;
	v5 =	vld.idx.msk [tilespmem:v3+s23+$0x20 ss:$0x1], $0xffff  }
0x119: {  	v17 =	vmov v4;
	v8 =	vld.idx.msk [tilespmem:v3+s23+$0x30 ss:$0x1], $0xffff;
	s23 =	sshra.s32 s24, $0x2  }
.Ltmp10:
0x11a: {  	v6 =	vld.idx.msk [tilespmem:v3+s23+$0x0 ss:$0x1], $0xffff;
	(pc) =	sbr.rel @p0 .LBB2_23-.Ltmp10, $4  }
0x11b: {  	v4 =	vld.idx.msk [tilespmem:v3+s23+$0x10 ss:$0x1], $0xffff  }
0x11c: {  	v12 =	vadd.f32 v7, v12;
	v11 =	vadd.f32 v9, v11;
	v7 =	vld.idx.msk [tilespmem:v3+s23+$0xFFFFFFC0 ss:$0x1], $0xffff  }
0x11d: {  	v13 =	vadd.f32 v10, v13;
	v14 =	vadd.f32 v15, v14;
	v9 =	vld.idx.msk [tilespmem:v3+s23+$0xFFFFFFD0 ss:$0x1], $0xffff  }
0x11e: {  	s24 =	sadd.s32 $0x1000, s24;
	v12 =	vadd.f32 v16, v12;
	v11 =	vadd.f32 v17, v11;
	v10 =	vld.idx.msk [tilespmem:v3+s23+$0xFFFFFFE0 ss:$0x1], $0xffff  }
0x11f: {  	_ =	sdelay $0x3  }
0x120: {  	v15 =	vld.idx.msk [tilespmem:v3+s23+$0xFFFFFFF0 ss:$0x1], $0xffff  }
0x121: {  	v16 =	vld.idx.msk [tilespmem:v3+s23+$0x20 ss:$0x1], $0xffff  }
0x122: {  	v3 =	vld.idx.msk [tilespmem:v3+s23+$0x30 ss:$0x1], $0xffff  }
0x123: {  	v5 =	vadd.f32 v5, v13;
	v8 =	vadd.f32 v8, v14  }
0x124: {  	v7 =	vadd.f32 v7, v12;
	v9 =	vadd.f32 v9, v11  }
0x125: {  	v5 =	vadd.f32 v10, v5;
	v8 =	vadd.f32 v15, v8  }
0x126: {  	v6 =	vadd.f32 v6, v7;
	v4 =	vadd.f32 v4, v9  }
0x127: {  	v5 =	vadd.f32 v16, v5;
	v3 =	vadd.f32 v3, v8;
	_ =	sdelay $0x1  }
0x128: {  	v4 =	vadd.f32 v4, v6;
	v3 =	vadd.f32 v3, v5;
	_ =	sdelay $0x1  }
0x129: {  	v3 =	vadd.f32 v3, v4;
	_ =	sdelay $0x1  }
0x12a: {  	(xrf2) =	vadd.scan.msk.f32 $0xffff, v3;
	_ =	sdelay $0x6  }
0x12b: {  	s31 =	sor.u32 $0x8, s21;
	s21 =	sadd.s32 $0x1, s21  }
0x12c: {  	p0 =	sne.s32 s21, $0x8  }
.Ltmp11:
0x12d: {  	_ = 	snop;
	(pc) =	sbr.rel @p0 .LBB2_22-.Ltmp11, $4  }
0x12e: {  	v3, _, _ =	vpop (xrf2)  }
0x12f: {  	v63 =	vmov s31;
	v3 =	vbroadcast v3, $0xF  }
0x130: {  	vm0 =	veq.s32 v63, v0  }
0x131: {  	s22 =	sadd.s32 $0x80, s22;
	v2 =	vsel vm0, v3, v2  }
0x132: {  	v2 =	vmul.f32 v2, v1;
	_ =	sdelay $0x1  }
0x133: {  	s21 =	simm.s32 $0x0;
	[tilespmem:$0x100A0] =	vst v2  }
0x134: {  	[tilespmem:s16], [sflag:$0x2] =	stream.linear.gather [hbm4b:s11+s21], $0x8000, $0x38;
	[tilespmem:$0x10100] =	vst v63  }
0x135: {  	_ =	swait.ge [sflag:s17], $0x8000  }
0x136: {  	[sflag:s17] =	ssyncset.done $0x0  }
0x137: {  	v3 =	vimm.f32 $0.0e+00;
	s22 =	simm.s32 $0xC0;
	v2 =	vimm.f32 $0.0e+00;
	[sflag:s17] =	ssyncadd.s32 $0xFFFF8000  }
.LBB2_26:
0x138: {  	v4 =	vmov s22;
	_ =	sdelay $0x3  }
0x139: {  	s24 =	simm.s32 $0x0  }
0x13a: {  	v12 =	vld.idx.msk [tilespmem:v4+s24+$0x0 ss:$0x1], $0xffff  }
0x13b: {  	v16 =	vld.idx.msk [tilespmem:v4+s24+$0x10 ss:$0x1], $0xffff  }
0x13c: {  	v10 =	vld.idx.msk [tilespmem:v4+s24+$0xFFFFFFC0 ss:$0x1], $0xffff  }
0x13d: {  	v11 =	vld.idx.msk [tilespmem:v4+s24+$0xFFFFFFD0 ss:$0x1], $0xffff  }
0x13e: {  	v13 =	vld.idx.msk [tilespmem:v4+s24+$0xFFFFFFE0 ss:$0x1], $0xffff  }
0x13f: {  	v15 =	vld.idx.msk [tilespmem:v4+s24+$0xFFFFFFF0 ss:$0x1], $0xffff  }
0x140: {  	v6 =	vld.idx.msk [tilespmem:v4+s24+$0x20 ss:$0x1], $0xffff  }
0x141: {  	s23 =	simm.s32 $0x400;
	v9 =	vld.idx.msk [tilespmem:v4+s24+$0x30 ss:$0x1], $0xffff  }
0x142: {  	v7 =	vld.idx.msk [tilespmem:v4+s23+$0x0 ss:$0x1], $0xffff  }
0x143: {  	v5 =	vld.idx.msk [tilespmem:v4+s23+$0x10 ss:$0x1], $0xffff  }
0x144: {  	v8 =	vld.idx.msk [tilespmem:v4+s23+$0xFFFFFFC0 ss:$0x1], $0xffff;
	v17 =	vadd.f32 v10, v3;
	v18 =	vadd.f32 v11, v3  }
0x145: {  	v10 =	vld.idx.msk [tilespmem:v4+s23+$0xFFFFFFD0 ss:$0x1], $0xffff;
	v14 =	vadd.f32 v13, v3;
	v15 =	vadd.f32 v15, v3  }
0x146: {  	s24 =	simm.s32 $0x2000;
	v11 =	vld.idx.msk [tilespmem:v4+s23+$0xFFFFFFE0 ss:$0x1], $0xffff;
	v13 =	vadd.f32 v12, v17;
	v12 =	vadd.f32 v16, v18  }
.LBB2_27:
0x147: {  	p0 =	sne.s32 s24, $0x1F000;
	v16 =	vld.idx.msk [tilespmem:v4+s23+$0xFFFFFFF0 ss:$0x1], $0xffff;
	v14 =	vadd.f32 v6, v14;
	v15 =	vadd.f32 v9, v15  }
0x148: {  	v17 =	vmov v7;
	v6 =	vld.idx.msk [tilespmem:v4+s23+$0x20 ss:$0x1], $0xffff  }
0x149: {  	v18 =	vmov v5;
	v9 =	vld.idx.msk [tilespmem:v4+s23+$0x30 ss:$0x1], $0xffff;
	s23 =	sshra.s32 s24, $0x2  }
.Ltmp12:
0x14a: {  	v7 =	vld.idx.msk [tilespmem:v4+s23+$0x0 ss:$0x1], $0xffff;
	(pc) =	sbr.rel @p0 .LBB2_27-.Ltmp12, $4  }
0x14b: {  	v5 =	vld.idx.msk [tilespmem:v4+s23+$0x10 ss:$0x1], $0xffff  }
0x14c: {  	v13 =	vadd.f32 v8, v13;
	v12 =	vadd.f32 v10, v12;
	v8 =	vld.idx.msk [tilespmem:v4+s23+$0xFFFFFFC0 ss:$0x1], $0xffff  }
0x14d: {  	v14 =	vadd.f32 v11, v14;
	v15 =	vadd.f32 v16, v15;
	v10 =	vld.idx.msk [tilespmem:v4+s23+$0xFFFFFFD0 ss:$0x1], $0xffff  }
0x14e: {  	s24 =	sadd.s32 $0x1000, s24;
	v13 =	vadd.f32 v17, v13;
	v12 =	vadd.f32 v18, v12;
	v11 =	vld.idx.msk [tilespmem:v4+s23+$0xFFFFFFE0 ss:$0x1], $0xffff  }
0x14f: {  	_ =	sdelay $0x3  }
0x150: {  	v16 =	vld.idx.msk [tilespmem:v4+s23+$0xFFFFFFF0 ss:$0x1], $0xffff  }
0x151: {  	v17 =	vld.idx.msk [tilespmem:v4+s23+$0x20 ss:$0x1], $0xffff  }
0x152: {  	v4 =	vld.idx.msk [tilespmem:v4+s23+$0x30 ss:$0x1], $0xffff  }
0x153: {  	v6 =	vadd.f32 v6, v14;
	v9 =	vadd.f32 v9, v15  }
0x154: {  	v8 =	vadd.f32 v8, v13;
	v10 =	vadd.f32 v10, v12  }
0x155: {  	v6 =	vadd.f32 v11, v6;
	v9 =	vadd.f32 v16, v9  }
0x156: {  	v7 =	vadd.f32 v7, v8;
	v5 =	vadd.f32 v5, v10  }
0x157: {  	v6 =	vadd.f32 v17, v6;
	v4 =	vadd.f32 v4, v9;
	_ =	sdelay $0x1  }
0x158: {  	v5 =	vadd.f32 v5, v7;
	v4 =	vadd.f32 v4, v6;
	_ =	sdelay $0x1  }
0x159: {  	v4 =	vadd.f32 v4, v5;
	_ =	sdelay $0x1  }
0x15a: {  	(xrf2) =	vadd.scan.msk.f32 $0xffff, v4;
	_ =	sdelay $0x6  }
0x15b: {  	v5 =	vmov s21;
	s21 =	sadd.s32 $0x1, s21  }
0x15c: {  	p0 =	sne.s32 s21, $0x8  }
.Ltmp13:
0x15d: {  	_ = 	snop;
	(pc) =	sbr.rel @p0 .LBB2_26-.Ltmp13, $4  }
0x15e: {  	v4, _, _ =	vpop (xrf2)  }
0x15f: {  	v4 =	vbroadcast v4, $0xF  }
0x160: {  	vm0 =	veq.s32 v5, v0  }
0x161: {  	s22 =	sadd.s32 $0x80, s22;
	v2 =	vsel vm0, v4, v2  }
0x162: {  	_ =	swait.ge [sflag:s18], $0x8000  }
0x163: {  	[sflag:s18] =	ssyncset.done $0x0  }
0x164: {  	s21 =	simm.s32 $0x0;
	s22 =	simm.s32 $0x80C0;
	[sflag:s18] =	ssyncadd.s32 $0xFFFF8000  }
.LBB2_30:
0x165: {  	v3 =	vmov s22;
	_ =	sdelay $0x3  }
0x166: {  	s24 =	simm.s32 $0x0  }
0x167: {  	v11 =	vld.idx.msk [tilespmem:v3+s24+$0x0 ss:$0x1], $0xffff  }
0x168: {  	v15 =	vld.idx.msk [tilespmem:v3+s24+$0x10 ss:$0x1], $0xffff  }
0x169: {  	v9 =	vld.idx.msk [tilespmem:v3+s24+$0xFFFFFFC0 ss:$0x1], $0xffff  }
0x16a: {  	v10 =	vld.idx.msk [tilespmem:v3+s24+$0xFFFFFFD0 ss:$0x1], $0xffff  }
0x16b: {  	v12 =	vld.idx.msk [tilespmem:v3+s24+$0xFFFFFFE0 ss:$0x1], $0xffff  }
0x16c: {  	v14 =	vld.idx.msk [tilespmem:v3+s24+$0xFFFFFFF0 ss:$0x1], $0xffff  }
0x16d: {  	v5 =	vld.idx.msk [tilespmem:v3+s24+$0x20 ss:$0x1], $0xffff  }
0x16e: {  	s23 =	simm.s32 $0x400;
	v8 =	vld.idx.msk [tilespmem:v3+s24+$0x30 ss:$0x1], $0xffff  }
0x16f: {  	v6 =	vld.idx.msk [tilespmem:v3+s23+$0x0 ss:$0x1], $0xffff  }
0x170: {  	v16 =	vimm.f32 $0.0e+00;
	v4 =	vld.idx.msk [tilespmem:v3+s23+$0x10 ss:$0x1], $0xffff  }
0x171: {  	v7 =	vld.idx.msk [tilespmem:v3+s23+$0xFFFFFFC0 ss:$0x1], $0xffff;
	v17 =	vadd.f32 v9, v16;
	v18 =	vadd.f32 v10, v16  }
0x172: {  	v9 =	vld.idx.msk [tilespmem:v3+s23+$0xFFFFFFD0 ss:$0x1], $0xffff;
	v13 =	vadd.f32 v12, v16;
	v14 =	vadd.f32 v14, v16  }
0x173: {  	s24 =	simm.s32 $0x2000;
	v10 =	vld.idx.msk [tilespmem:v3+s23+$0xFFFFFFE0 ss:$0x1], $0xffff;
	v12 =	vadd.f32 v11, v17;
	v11 =	vadd.f32 v15, v18  }
.LBB2_31:
0x174: {  	p0 =	sne.s32 s24, $0x1F000;
	v15 =	vld.idx.msk [tilespmem:v3+s23+$0xFFFFFFF0 ss:$0x1], $0xffff;
	v13 =	vadd.f32 v5, v13;
	v14 =	vadd.f32 v8, v14  }
0x175: {  	v16 =	vmov v6;
	v5 =	vld.idx.msk [tilespmem:v3+s23+$0x20 ss:$0x1], $0xffff  }
0x176: {  	v17 =	vmov v4;
	v8 =	vld.idx.msk [tilespmem:v3+s23+$0x30 ss:$0x1], $0xffff;
	s23 =	sshra.s32 s24, $0x2  }
.Ltmp14:
0x177: {  	v6 =	vld.idx.msk [tilespmem:v3+s23+$0x0 ss:$0x1], $0xffff;
	(pc) =	sbr.rel @p0 .LBB2_31-.Ltmp14, $4  }
0x178: {  	v4 =	vld.idx.msk [tilespmem:v3+s23+$0x10 ss:$0x1], $0xffff  }
0x179: {  	v12 =	vadd.f32 v7, v12;
	v11 =	vadd.f32 v9, v11;
	v7 =	vld.idx.msk [tilespmem:v3+s23+$0xFFFFFFC0 ss:$0x1], $0xffff  }
0x17a: {  	v13 =	vadd.f32 v10, v13;
	v14 =	vadd.f32 v15, v14;
	v9 =	vld.idx.msk [tilespmem:v3+s23+$0xFFFFFFD0 ss:$0x1], $0xffff  }
0x17b: {  	s24 =	sadd.s32 $0x1000, s24;
	v12 =	vadd.f32 v16, v12;
	v11 =	vadd.f32 v17, v11;
	v10 =	vld.idx.msk [tilespmem:v3+s23+$0xFFFFFFE0 ss:$0x1], $0xffff  }
0x17c: {  	_ =	sdelay $0x3  }
0x17d: {  	v15 =	vld.idx.msk [tilespmem:v3+s23+$0xFFFFFFF0 ss:$0x1], $0xffff  }
0x17e: {  	v16 =	vld.idx.msk [tilespmem:v3+s23+$0x20 ss:$0x1], $0xffff  }
0x17f: {  	v3 =	vld.idx.msk [tilespmem:v3+s23+$0x30 ss:$0x1], $0xffff  }
0x180: {  	v5 =	vadd.f32 v5, v13;
	v8 =	vadd.f32 v8, v14  }
0x181: {  	v7 =	vadd.f32 v7, v12;
	v9 =	vadd.f32 v9, v11  }
0x182: {  	v5 =	vadd.f32 v10, v5;
	v8 =	vadd.f32 v15, v8  }
0x183: {  	v6 =	vadd.f32 v6, v7;
	v4 =	vadd.f32 v4, v9  }
0x184: {  	v5 =	vadd.f32 v16, v5;
	v3 =	vadd.f32 v3, v8;
	_ =	sdelay $0x1  }
0x185: {  	v4 =	vadd.f32 v4, v6;
	v3 =	vadd.f32 v3, v5;
	_ =	sdelay $0x1  }
0x186: {  	v3 =	vadd.f32 v3, v4;
	_ =	sdelay $0x1  }
0x187: {  	(xrf2) =	vadd.scan.msk.f32 $0xffff, v3;
	_ =	sdelay $0x6  }
0x188: {  	s31 =	sor.u32 $0x8, s21;
	s21 =	sadd.s32 $0x1, s21  }
0x189: {  	p0 =	sne.s32 s21, $0x8  }
.Ltmp15:
0x18a: {  	_ = 	snop;
	(pc) =	sbr.rel @p0 .LBB2_30-.Ltmp15, $4  }
0x18b: {  	v3, _, _ =	vpop (xrf2)  }
0x18c: {  	v63 =	vmov s31;
	v3 =	vbroadcast v3, $0xF  }
0x18d: {  	vm0 =	veq.s32 v63, v0  }
0x18e: {  	s22 =	sadd.s32 $0x80, s22;
	v2 =	vsel vm0, v3, v2  }
0x18f: {  	v1 =	vmul.f32 v2, v1;
	s20 =	sadd.s32 $0x1, s20  }
0x190: {  	p0 =	sne.s32 s20, s13  }
.Ltmp16:
0x191: {  	[tilespmem:$0x100B0] =	vst v1;
	(pc) =	sbr.rel @p0 .LBB2_1-.Ltmp16, $4  }
0x192: {  	[hbm4b:s12+s3] =	stream.linear.scatter [tilespmem:s19], [sflag:$0x3], $0x40, $0x38;
	[tilespmem:$0x10100] =	vst v63  }
0x193: {  	_ =	swait.ge [sflag:s14], $0x40  }
0x194: {  	[sflag:s14] =	ssyncset.done $0x0  }
0x195: {  	[sflag:s14] =	ssyncadd.s32 $0xFFFFFFC0  }
0x196: {  	_ =	sfence.sel $0x180000  }
0x197: {  	[bflag:$0x0] =	sbarrier.arrive $0xFFFF  }
0x198: {  	p0 =	sne.s32 s2, $0x0;
	_ =	strace $0x90000047  }
0x199: {  	s0 =	sadd.s32 @!p0 $0x100000, s0;
	[bflag:$0x2] =	sbarrier.arrive $0xFFFF  }
0x19a: {  	[sflag:s0] =	ssyncadd.tile.s32 @!p0 $0x1;
	_ =	shalt  }
.Lfunc_end2:
_tile_overlayer_lowered:
.L_overlay_start_2:
0x19b: {  	(tag) =	ssettag $0x2  }
0x19c: {  	s0 =	rddreg [dreg:$0x0];
	s2 =	stileid.u32  }
0x19d: {  	s1 =	rddreg [dreg:$0x1];
	p0 =	sne.s32 s2, $0x0  }
0x19e: {  	s3 =	rddreg [dreg:$0x2];
	[bflag:$0x3] =	sbarrier.arrive $0xFFFF;
	s2 =	simm.s32 @!p0 $0x1C03  }
0x19f: {  	[timem:s3], [sflag:s2] =	dma.local @!p0 [hbm:s0], s1  }
0x1a0: {  	s0 =	simm.s32 @!p0 $0x3  }
0x1a1: {  	_ =	swait.ge @!p0 [sflag:s0], s1  }
0x1a2: {  	s1 =	ssub.s32 @!p0 $0x0, s1;
	[sflag:s0] =	ssyncset.done @!p0 $0x0  }
0x1a3: {  	[sflag:s0] =	ssyncadd.s32 @!p0 s1  }
0x1a4: {  	[bflag:$0x3] =	sbarrier.arrive $0xFFFF  }
0x1a5: {  	_ =	shalt  }

</sc_bundles>
